<compile_context>
chip_gen: v7x
topology: tpu7x:2x2x1
jax: 0.10.2.dev20260603
libtpu: 0.0.44.dev20260713+nightly
codegen_flags: <defaults>
</compile_context>

<pallas_src>
import functools

import jax
import jax.numpy as jnp
from jax import lax
from jax.experimental import pallas as pl
from jax.experimental.pallas import tpu as pltpu
from jax.experimental.pallas import tpu_sc as plsc

N = 10000
NPAD = 10240
D = 256
H = 128
E = 160000
EPAD = 163840
NC = 2
NS = 16
CHUNK = 128
ECHUNKS_TILE = EPAD // (NS * CHUNK)
DCHUNKS_TILE = EPAD // (NC * NS * CHUNK)
STRIPE = NPAD // NS
ROWBLK = 512
NRB = NPAD // ROWBLK
NBUF = 2

_mesh = plsc.VectorSubcoreMesh(core_axis_name="c", subcore_axis_name="s")


@functools.partial(
    pl.kernel,
    out_type=jax.ShapeDtypeStruct((NC, NPAD + 8), jnp.float32),
    mesh=_mesh,
    scratch_types=[
        pltpu.VMEM((DCHUNKS_TILE, CHUNK), jnp.int32),
        pltpu.VMEM((CHUNK,), jnp.float32),
        pltpu.VMEM((STRIPE,), jnp.float32),
        pltpu.VMEM_SHARED((NPAD + 8,), jnp.float32),
    ],
)
def _deg_kernel(dst_hbm, out_hbm, di, ones, zbuf, hist):
    c = lax.axis_index("c")
    s = lax.axis_index("s")
    tid = c * NS + s
    for j in range(CHUNK // 16):
        ones[pl.ds(16 * j, 16)] = jnp.ones((16,), jnp.float32)
    for j in range(STRIPE // 16):
        zbuf[pl.ds(16 * j, 16)] = jnp.zeros((16,), jnp.float32)
    pltpu.sync_copy(zbuf, hist.at[pl.ds(s * STRIPE, STRIPE)])
    pltpu.sync_copy(dst_hbm.at[tid], di)
    plsc.subcore_barrier()

    @pl.loop(0, DCHUNKS_TILE)
    def _(g):
        pltpu.sync_copy(ones, hist.at[di.at[g]], add=True)

    plsc.subcore_barrier()
    pltpu.sync_copy(hist.at[pl.ds(s * STRIPE, STRIPE)],
                    out_hbm.at[c, pl.ds(s * STRIPE, STRIPE)])


NSI = 4


@functools.partial(
    pl.kernel,
    out_type=jax.ShapeDtypeStruct((NC * NPAD, H), jnp.float32),
    mesh=_mesh,
    scratch_types=[
        pltpu.VMEM((ECHUNKS_TILE, CHUNK), jnp.int32),
        pltpu.VMEM((NSI, CHUNK), jnp.int32),
        pltpu.VMEM((CHUNK, H), jnp.float32),
        pltpu.VMEM((CHUNK, H), jnp.float32),
        pltpu.VMEM_SHARED((NPAD + 8, H), jnp.float32),
    ] + [pltpu.SemaphoreType.DMA] * (2 * NBUF + NSI),
)
def _edge_kernel(src_hbm, dst_hbm, y_hbm, z_hbm,
                 si, di, rows0, rows1, z, *sems):
    sg, ss, sd = sems[:NBUF], sems[NBUF:2 * NBUF], sems[2 * NBUF:]
    rows = (rows0, rows1)
    c = lax.axis_index("c")
    s = lax.axis_index("s")
    tid = c * NS + s

    @pl.loop(0, CHUNK)
    def _(r):
        for j in range(H // 16):
            rows0[r, pl.ds(16 * j, 16)] = jnp.zeros((16,), jnp.float32)

    for q in range(STRIPE // CHUNK):
        pltpu.sync_copy(rows0, z.at[pl.ds(s * STRIPE + q * CHUNK, CHUNK), :])

    pltpu.sync_copy(src_hbm.at[tid], si)
    plsc.subcore_barrier()

    def load_di(k, slot):
        pltpu.async_copy(dst_hbm.at[tid * ECHUNKS_TILE + k], di.at[slot], sd[slot])

    for j in range(NSI):
        load_di(j, j)
    for b in range(NBUF):
        pltpu.async_copy(y_hbm.at[si.at[b]], rows[b], sg[b])

    @pl.loop(0, ECHUNKS_TILE, step=NSI)
    def _(g):
        for b in range(NSI):
            k = g + b
            rb = b % NBUF
            pltpu.make_async_copy(y_hbm.at[si.at[k]], rows[rb],
                                  sg[rb]).wait()
            pltpu.make_async_copy(
                dst_hbm.at[tid * ECHUNKS_TILE + k], di.at[b], sd[b]).wait()
            pltpu.async_copy(rows[rb], z.at[di.at[b]], ss[rb], add=True)

            @pl.when(k + NBUF < ECHUNKS_TILE)
            def _():
                pltpu.make_async_copy(rows[rb], z.at[di.at[b]],
                                      ss[rb]).wait()
                pltpu.async_copy(y_hbm.at[si.at[k + NBUF]], rows[rb], sg[rb])

                @pl.when(k + NSI < ECHUNKS_TILE)
                def _():
                    load_di(k + NSI, b)

    for b in range(NBUF):
        e = ECHUNKS_TILE - NBUF + b
        pltpu.make_async_copy(rows[e % NBUF], z.at[di.at[e % NSI]],
                              ss[e % NBUF]).wait()

    plsc.subcore_barrier()
    pltpu.sync_copy(z.at[pl.ds(s * STRIPE, STRIPE), :],
                    z_hbm.at[pl.ds(c * NPAD + s * STRIPE, STRIPE), :])


def _mm_body(x_ref, w_ref, deg_ref, y_ref):
    xw = jnp.dot(x_ref[...], w_ref[...], preferred_element_type=jnp.float32)
    dinv = lax.rsqrt(deg_ref[0, :] + deg_ref[1, :] + 1.0)
    y_ref[...] = xw * dinv[:, None]


def _matmul(xpad, w, degp):
    return pl.pallas_call(
        _mm_body,
        grid=(NC, NRB),
        in_specs=[
            pl.BlockSpec((ROWBLK, D), lambda h, i: (i, 0)),
            pl.BlockSpec((D, H), lambda h, i: (0, h)),
            pl.BlockSpec((NC, ROWBLK), lambda h, i: (0, i)),
        ],
        out_specs=pl.BlockSpec((ROWBLK, H), lambda h, i: (h * NRB + i, 0)),
        out_shape=jax.ShapeDtypeStruct((NC * NPAD, H), jnp.float32),
    )(xpad, w, degp)


def _fin_body(z0_ref, z1_ref, y0_ref, y1_ref, deg_ref, b_ref, out_ref):
    dinv = lax.rsqrt(deg_ref[0, :] + deg_ref[1, :] + 1.0)[:, None]
    b = b_ref[0, :]
    oL = (z0_ref[...] + y0_ref[...]) * dinv + b[None, :H]
    oR = (z1_ref[...] + y1_ref[...]) * dinv + b[None, H:]
    o = jnp.concatenate([oL, oR], axis=1)
    m = jnp.max(o, axis=1, keepdims=True)
    lse = jnp.log(jnp.sum(jnp.exp(o - m), axis=1, keepdims=True)) + m
    out_ref[...] = o - lse


def _final(z_all, y_all, degp, b2):
    lo = lambda i: (i, 0)
    hi = lambda i: (NRB + i, 0)
    return pl.pallas_call(
        _fin_body,
        grid=(NRB,),
        in_specs=[
            pl.BlockSpec((ROWBLK, H), lo),
            pl.BlockSpec((ROWBLK, H), hi),
            pl.BlockSpec((ROWBLK, H), lo),
            pl.BlockSpec((ROWBLK, H), hi),
            pl.BlockSpec((NC, ROWBLK), lambda i: (0, i)),
            pl.BlockSpec((1, D), lambda i: (0, 0)),
        ],
        out_specs=pl.BlockSpec((ROWBLK, D), lo),
        out_shape=jax.ShapeDtypeStruct((N, D), jnp.float32),
    )(z_all, z_all, y_all, y_all, degp, b2)


def kernel(x, edge_index, W, b):
    ei = edge_index.astype(jnp.int32)
    npad_e = EPAD - E
    src = jnp.concatenate([ei[0], jnp.zeros((npad_e,), jnp.int32)])
    dst = jnp.concatenate([ei[1], jnp.full((npad_e,), NPAD, jnp.int32)])
    src3 = src.reshape(NS, ECHUNKS_TILE, CHUNK)
    dst3 = dst.reshape(NS, ECHUNKS_TILE, CHUNK)
    si_all = jnp.stack([src3, src3 + NPAD])
    dst_edge = jnp.broadcast_to(dst3, (NC, NS, ECHUNKS_TILE, CHUNK)).reshape(
        NC * NS * ECHUNKS_TILE, CHUNK)
    dst_deg = dst.reshape(NC * NS, DCHUNKS_TILE, CHUNK)

    degp = _deg_kernel(dst_deg)[:, :NPAD]
    xpad = jnp.pad(x, ((0, NPAD - N), (0, 0)))
    y_all = _matmul(xpad, W, degp)
    z_all = _edge_kernel(si_all.reshape(NC * NS, ECHUNKS_TILE, CHUNK), dst_edge, y_all)
    return _final(z_all, y_all, degp, b.reshape(1, D))

# --- scband reference (transcript-rebuilt; emitter-appended) ---
"""Pipeline reference for scband-gcn-1-13606456394528 (READ-ONLY COPY).

The authoritative reference and input builder live on the scoring server;
editing this copy changes nothing except your own understanding.
"""

import jax, jax.numpy as jnp
import numpy as np

N_NODES = 10000
D_IN = 256
D_OUT = 256
N_EDGES = 160000

def setup_inputs(seed: int = 0) -> dict:
    key = jax.random.key(seed)
    k1, k2, k3, k4 = jax.random.split(key, 4)
    x = jax.random.normal(k1, (N_NODES, D_IN), dtype=jnp.float32)
    edge_index = jax.random.randint(k2, (2, N_EDGES), 0, N_NODES, dtype=jnp.int64)
    # GCNConv learned params (glorot-style init for weight, zeros for bias)
    scale = 1.0 / np.sqrt(D_IN)
    W = jax.random.uniform(k3, (D_IN, D_OUT), dtype=jnp.float32, minval=-scale, maxval=scale)
    b = jnp.zeros((D_OUT,), dtype=jnp.float32)
    return {"x": x, "edge_index": edge_index, "W": W, "b": b}

def reference(x, edge_index, W, b):
    # Faithful GCNConv (Kipf & Welling): add self-loops, symmetric degree
    # normalization, linear transform, scatter-add aggregation, bias;
    # then log_softmax over feature dim (as in GCN_1.forward).
    N = x.shape[0]
    self_loops = jnp.arange(N, dtype=edge_index.dtype)
    src = jnp.concatenate([edge_index[0], self_loops])
    dst = jnp.concatenate([edge_index[1], self_loops])
    # linear transform first (standard GCNConv order)
    xw = x @ W
    # degree of destination nodes (with self-loops)
    deg = jnp.zeros((N,), dtype=jnp.float32).at[dst].add(1.0)
    deg_inv_sqrt = jnp.where(deg > 0, jax.lax.rsqrt(deg), 0.0)
    norm = deg_inv_sqrt[src] * deg_inv_sqrt[dst]
    # gather messages from source nodes, weight by norm
    msgs = xw[src] * norm[:, None]
    # scatter-add to destination nodes
    out = jnp.zeros((N, xw.shape[1]), dtype=xw.dtype).at[dst].add(msgs)
    out = out + b
    return jax.nn.log_softmax(out, axis=1)

if __name__ == "__main__":
    import jax
    _d = setup_inputs()
    print(jax.jit(kernel)(*tuple(_d.values())))

</pallas_src>

<mosaic_0001>
#map = affine_map<(d0, d1) -> (0, 0, 0)>
#map1 = affine_map<(d0, d1) -> (0, 0)>
module attributes {stable_mosaic.version = 14 : i64} {
  func.func @_deg_kernel(%arg0: i32, %arg1: i32, %arg2: memref<32x40x128xi32, #tpu.memory_space<hbm>>, %arg3: memref<2x10248xf32, #tpu.memory_space<hbm>>, %arg4: memref<40x128xi32, #tpu.memory_space<vmem>>, %arg5: memref<128xf32, #tpu.memory_space<vmem>>, %arg6: memref<640xf32, #tpu.memory_space<vmem>>, %arg7: memref<10248xf32, #tpu.memory_space<vmem_shared>>) attributes {dimension_semantics = [#tpu.dimension_semantics<core_parallel>, #tpu.dimension_semantics<subcore_parallel>], iteration_bounds = array<i64: 2, 16>, scalar_prefetch = 0 : i64, scratch_operands = 4 : i64, tpu.core_type = #tpu.core_type<sc_vector_subcore>, window_params = [{transform_indices = #map}, {transform_indices = #map1}]} {
    %mul3A = arith.constant 16 : i32
    %mul3A_0 = arith.muli %arg0, %mul3A : i32
    %add3A = arith.addi %mul3A_0, %arg1 : i32
    %broadcast_in_dim3A = arith.constant 1.000000e+00 : f32
    %broadcast_in_dim3A_1 = vector.broadcast %broadcast_in_dim3A : f32 to vector<16xf32>
    %swap3A = arith.constant 0 : index
    %swap3A_2 = tpu.vector_load %arg5[%swap3A] {strides = array<i32>} : memref<128xf32, #tpu.memory_space<vmem>>, vector<16xf32>,
    %swap3A_3 = vector.shape_cast %swap3A_2 : vector<16xf32> to vector<16xf32>
    %swap3A_4 = vector.shape_cast %broadcast_in_dim3A_1 : vector<16xf32> to vector<16xf32>
    tpu.vector_store %arg5[%swap3A], %swap3A_4 {strides = array<i32>} : memref<128xf32, #tpu.memory_space<vmem>>, vector<16xf32>,
    %broadcast_in_dim3A_5 = arith.constant 1.000000e+00 : f32
    %broadcast_in_dim3A_6 = vector.broadcast %broadcast_in_dim3A_5 : f32 to vector<16xf32>
    %swap3A_7 = arith.constant 16 : index
    %swap3A_8 = tpu.vector_load %arg5[%swap3A_7] {strides = array<i32>} : memref<128xf32, #tpu.memory_space<vmem>>, vector<16xf32>,
    %swap3A_9 = vector.shape_cast %swap3A_8 : vector<16xf32> to vector<16xf32>
    %swap3A_10 = vector.shape_cast %broadcast_in_dim3A_6 : vector<16xf32> to vector<16xf32>
    tpu.vector_store %arg5[%swap3A_7], %swap3A_10 {strides = array<i32>} : memref<128xf32, #tpu.memory_space<vmem>>, vector<16xf32>,
    %broadcast_in_dim3A_11 = arith.constant 1.000000e+00 : f32
    %broadcast_in_dim3A_12 = vector.broadcast %broadcast_in_dim3A_11 : f32 to vector<16xf32>
    %swap3A_13 = arith.constant 32 : index
    %swap3A_14 = tpu.vector_load %arg5[%swap3A_13] {strides = array<i32>} : memref<128xf32, #tpu.memory_space<vmem>>, vector<16xf32>,
    %swap3A_15 = vector.shape_cast %swap3A_14 : vector<16xf32> to vector<16xf32>
    %swap3A_16 = vector.shape_cast %broadcast_in_dim3A_12 : vector<16xf32> to vector<16xf32>
    tpu.vector_store %arg5[%swap3A_13], %swap3A_16 {strides = array<i32>} : memref<128xf32, #tpu.memory_space<vmem>>, vector<16xf32>,
    %broadcast_in_dim3A_17 = arith.constant 1.000000e+00 : f32
    %broadcast_in_dim3A_18 = vector.broadcast %broadcast_in_dim3A_17 : f32 to vector<16xf32>
    %swap3A_19 = arith.constant 48 : index
    %swap3A_20 = tpu.vector_load %arg5[%swap3A_19] {strides = array<i32>} : memref<128xf32, #tpu.memory_space<vmem>>, vector<16xf32>,
    %swap3A_21 = vector.shape_cast %swap3A_20 : vector<16xf32> to vector<16xf32>
    %swap3A_22 = vector.shape_cast %broadcast_in_dim3A_18 : vector<16xf32> to vector<16xf32>
    tpu.vector_store %arg5[%swap3A_19], %swap3A_22 {strides = array<i32>} : memref<128xf32, #tpu.memory_space<vmem>>, vector<16xf32>,
    %broadcast_in_dim3A_23 = arith.constant 1.000000e+00 : f32
    %broadcast_in_dim3A_24 = vector.broadcast %broadcast_in_dim3A_23 : f32 to vector<16xf32>
    %swap3A_25 = arith.constant 64 : index
    %swap3A_26 = tpu.vector_load %arg5[%swap3A_25] {strides = array<i32>} : memref<128xf32, #tpu.memory_space<vmem>>, vector<16xf32>,
    %swap3A_27 = vector.shape_cast %swap3A_26 : vector<16xf32> to vector<16xf32>
    %swap3A_28 = vector.shape_cast %broadcast_in_dim3A_24 : vector<16xf32> to vector<16xf32>
    tpu.vector_store %arg5[%swap3A_25], %swap3A_28 {strides = array<i32>} : memref<128xf32, #tpu.memory_space<vmem>>, vector<16xf32>,
    %broadcast_in_dim3A_29 = arith.constant 1.000000e+00 : f32
    %broadcast_in_dim3A_30 = vector.broadcast %broadcast_in_dim3A_29 : f32 to vector<16xf32>
    %swap3A_31 = arith.constant 80 : index
    %swap3A_32 = tpu.vector_load %arg5[%swap3A_31] {strides = array<i32>} : memref<128xf32, #tpu.memory_space<vmem>>, vector<16xf32>,
    %swap3A_33 = vector.shape_cast %swap3A_32 : vector<16xf32> to vector<16xf32>
    %swap3A_34 = vector.shape_cast %broadcast_in_dim3A_30 : vector<16xf32> to vector<16xf32>
    tpu.vector_store %arg5[%swap3A_31], %swap3A_34 {strides = array<i32>} : memref<128xf32, #tpu.memory_space<vmem>>, vector<16xf32>,
    %broadcast_in_dim3A_35 = arith.constant 1.000000e+00 : f32
    %broadcast_in_dim3A_36 = vector.broadcast %broadcast_in_dim3A_35 : f32 to vector<16xf32>
    %swap3A_37 = arith.constant 96 : index
    %swap3A_38 = tpu.vector_load %arg5[%swap3A_37] {strides = array<i32>} : memref<128xf32, #tpu.memory_space<vmem>>, vector<16xf32>,
    %swap3A_39 = vector.shape_cast %swap3A_38 : vector<16xf32> to vector<16xf32>
    %swap3A_40 = vector.shape_cast %broadcast_in_dim3A_36 : vector<16xf32> to vector<16xf32>
    tpu.vector_store %arg5[%swap3A_37], %swap3A_40 {strides = array<i32>} : memref<128xf32, #tpu.memory_space<vmem>>, vector<16xf32>,
    %broadcast_in_dim3A_41 = arith.constant 1.000000e+00 : f32
    %broadcast_in_dim3A_42 = vector.broadcast %broadcast_in_dim3A_41 : f32 to vector<16xf32>
    %swap3A_43 = arith.constant 112 : index
    %swap3A_44 = tpu.vector_load %arg5[%swap3A_43] {strides = array<i32>} : memref<128xf32, #tpu.memory_space<vmem>>, vector<16xf32>,
    %swap3A_45 = vector.shape_cast %swap3A_44 : vector<16xf32> to vector<16xf32>
    %swap3A_46 = vector.shape_cast %broadcast_in_dim3A_42 : vector<16xf32> to vector<16xf32>
    tpu.vector_store %arg5[%swap3A_43], %swap3A_46 {strides = array<i32>} : memref<128xf32, #tpu.memory_space<vmem>>, vector<16xf32>,
    %broadcast_in_dim3A_47 = arith.constant 0.000000e+00 : f32
    %broadcast_in_dim3A_48 = vector.broadcast %broadcast_in_dim3A_47 : f32 to vector<16xf32>
    %swap3A_49 = arith.constant 0 : index
    %swap3A_50 = tpu.vector_load %arg6[%swap3A_49] {strides = array<i32>} : memref<640xf32, #tpu.memory_space<vmem>>, vector<16xf32>,
    %swap3A_51 = vector.shape_cast %swap3A_50 : vector<16xf32> to vector<16xf32>
    %swap3A_52 = vector.shape_cast %broadcast_in_dim3A_48 : vector<16xf32> to vector<16xf32>
    tpu.vector_store %arg6[%swap3A_49], %swap3A_52 {strides = array<i32>} : memref<640xf32, #tpu.memory_space<vmem>>, vector<16xf32>,
    %broadcast_in_dim3A_53 = arith.constant 0.000000e+00 : f32
    %broadcast_in_dim3A_54 = vector.broadcast %broadcast_in_dim3A_53 : f32 to vector<16xf32>
    %swap3A_55 = arith.constant 16 : index
    %swap3A_56 = tpu.vector_load %arg6[%swap3A_55] {strides = array<i32>} : memref<640xf32, #tpu.memory_space<vmem>>, vector<16xf32>,
    %swap3A_57 = vector.shape_cast %swap3A_56 : vector<16xf32> to vector<16xf32>
    %swap3A_58 = vector.shape_cast %broadcast_in_dim3A_54 : vector<16xf32> to vector<16xf32>
    tpu.vector_store %arg6[%swap3A_55], %swap3A_58 {strides = array<i32>} : memref<640xf32, #tpu.memory_space<vmem>>, vector<16xf32>,
    %broadcast_in_dim3A_59 = arith.constant 0.000000e+00 : f32
    %broadcast_in_dim3A_60 = vector.broadcast %broadcast_in_dim3A_59 : f32 to vector<16xf32>
    %swap3A_61 = arith.constant 32 : index
    %swap3A_62 = tpu.vector_load %arg6[%swap3A_61] {strides = array<i32>} : memref<640xf32, #tpu.memory_space<vmem>>, vector<16xf32>,
    %swap3A_63 = vector.shape_cast %swap3A_62 : vector<16xf32> to vector<16xf32>
    %swap3A_64 = vector.shape_cast %broadcast_in_dim3A_60 : vector<16xf32> to vector<16xf32>
    tpu.vector_store %arg6[%swap3A_61], %swap3A_64 {strides = array<i32>} : memref<640xf32, #tpu.memory_space<vmem>>, vector<16xf32>,
    %broadcast_in_dim3A_65 = arith.constant 0.000000e+00 : f32
    %broadcast_in_dim3A_66 = vector.broadcast %broadcast_in_dim3A_65 : f32 to vector<16xf32>
    %swap3A_67 = arith.constant 48 : index
    %swap3A_68 = tpu.vector_load %arg6[%swap3A_67] {strides = array<i32>} : memref<640xf32, #tpu.memory_space<vmem>>, vector<16xf32>,
    %swap3A_69 = vector.shape_cast %swap3A_68 : vector<16xf32> to vector<16xf32>
    %swap3A_70 = vector.shape_cast %broadcast_in_dim3A_66 : vector<16xf32> to vector<16xf32>
    tpu.vector_store %arg6[%swap3A_67], %swap3A_70 {strides = array<i32>} : memref<640xf32, #tpu.memory_space<vmem>>, vector<16xf32>,
    %broadcast_in_dim3A_71 = arith.constant 0.000000e+00 : f32
    %broadcast_in_dim3A_72 = vector.broadcast %broadcast_in_dim3A_71 : f32 to vector<16xf32>
    %swap3A_73 = arith.constant 64 : index
    %swap3A_74 = tpu.vector_load %arg6[%swap3A_73] {strides = array<i32>} : memref<640xf32, #tpu.memory_space<vmem>>, vector<16xf32>,
    %swap3A_75 = vector.shape_cast %swap3A_74 : vector<16xf32> to vector<16xf32>
    %swap3A_76 = vector.shape_cast %broadcast_in_dim3A_72 : vector<16xf32> to vector<16xf32>
    tpu.vector_store %arg6[%swap3A_73], %swap3A_76 {strides = array<i32>} : memref<640xf32, #tpu.memory_space<vmem>>, vector<16xf32>,
    %broadcast_in_dim3A_77 = arith.constant 0.000000e+00 : f32
    %broadcast_in_dim3A_78 = vector.broadcast %broadcast_in_dim3A_77 : f32 to vector<16xf32>
    %swap3A_79 = arith.constant 80 : index
    %swap3A_80 = tpu.vector_load %arg6[%swap3A_79] {strides = array<i32>} : memref<640xf32, #tpu.memory_space<vmem>>, vector<16xf32>,
    %swap3A_81 = vector.shape_cast %swap3A_80 : vector<16xf32> to vector<16xf32>
    %swap3A_82 = vector.shape_cast %broadcast_in_dim3A_78 : vector<16xf32> to vector<16xf32>
    tpu.vector_store %arg6[%swap3A_79], %swap3A_82 {strides = array<i32>} : memref<640xf32, #tpu.memory_space<vmem>>, vector<16xf32>,
    %broadcast_in_dim3A_83 = arith.constant 0.000000e+00 : f32
    %broadcast_in_dim3A_84 = vector.broadcast %broadcast_in_dim3A_83 : f32 to vector<16xf32>
    %swap3A_85 = arith.constant 96 : index
    %swap3A_86 = tpu.vector_load %arg6[%swap3A_85] {strides = array<i32>} : memref<640xf32, #tpu.memory_space<vmem>>, vector<16xf32>,
    %swap3A_87 = vector.shape_cast %swap3A_86 : vector<16xf32> to vector<16xf32>
    %swap3A_88 = vector.shape_cast %broadcast_in_dim3A_84 : vector<16xf32> to vector<16xf32>
    tpu.vector_store %arg6[%swap3A_85], %swap3A_88 {strides = array<i32>} : memref<640xf32, #tpu.memory_space<vmem>>, vector<16xf32>,
    %broadcast_in_dim3A_89 = arith.constant 0.000000e+00 : f32
    %broadcast_in_dim3A_90 = vector.broadcast %broadcast_in_dim3A_89 : f32 to vector<16xf32>
    %swap3A_91 = arith.constant 112 : index
    %swap3A_92 = tpu.vector_load %arg6[%swap3A_91] {strides = array<i32>} : memref<640xf32, #tpu.memory_space<vmem>>, vector<16xf32>,
    %swap3A_93 = vector.shape_cast %swap3A_92 : vector<16xf32> to vector<16xf32>
    %swap3A_94 = vector.shape_cast %broadcast_in_dim3A_90 : vector<16xf32> to vector<16xf32>
    tpu.vector_store %arg6[%swap3A_91], %swap3A_94 {strides = array<i32>} : memref<640xf32, #tpu.memory_space<vmem>>, vector<16xf32>,
    %broadcast_in_dim3A_95 = arith.constant 0.000000e+00 : f32
    %broadcast_in_dim3A_96 = vector.broadcast %broadcast_in_dim3A_95 : f32 to vector<16xf32>
    %swap3A_97 = arith.constant 128 : index
    %swap3A_98 = tpu.vector_load %arg6[%swap3A_97] {strides = array<i32>} : memref<640xf32, #tpu.memory_space<vmem>>, vector<16xf32>,
    %swap3A_99 = vector.shape_cast %swap3A_98 : vector<16xf32> to vector<16xf32>
    %swap3A_100 = vector.shape_cast %broadcast_in_dim3A_96 : vector<16xf32> to vector<16xf32>
    tpu.vector_store %arg6[%swap3A_97], %swap3A_100 {strides = array<i32>} : memref<640xf32, #tpu.memory_space<vmem>>, vector<16xf32>,
    %broadcast_in_dim3A_101 = arith.constant 0.000000e+00 : f32
    %broadcast_in_dim3A_102 = vector.broadcast %broadcast_in_dim3A_101 : f32 to vector<16xf32>
    %swap3A_103 = arith.constant 144 : index
    %swap3A_104 = tpu.vector_load %arg6[%swap3A_103] {strides = array<i32>} : memref<640xf32, #tpu.memory_space<vmem>>, vector<16xf32>,
    %swap3A_105 = vector.shape_cast %swap3A_104 : vector<16xf32> to vector<16xf32>
    %swap3A_106 = vector.shape_cast %broadcast_in_dim3A_102 : vector<16xf32> to vector<16xf32>
    tpu.vector_store %arg6[%swap3A_103], %swap3A_106 {strides = array<i32>} : memref<640xf32, #tpu.memory_space<vmem>>, vector<16xf32>,
    %broadcast_in_dim3A_107 = arith.constant 0.000000e+00 : f32
    %broadcast_in_dim3A_108 = vector.broadcast %broadcast_in_dim3A_107 : f32 to vector<16xf32>
    %swap3A_109 = arith.constant 160 : index
    %swap3A_110 = tpu.vector_load %arg6[%swap3A_109] {strides = array<i32>} : memref<640xf32, #tpu.memory_space<vmem>>, vector<16xf32>,
    %swap3A_111 = vector.shape_cast %swap3A_110 : vector<16xf32> to vector<16xf32>
    %swap3A_112 = vector.shape_cast %broadcast_in_dim3A_108 : vector<16xf32> to vector<16xf32>
    tpu.vector_store %arg6[%swap3A_109], %swap3A_112 {strides = array<i32>} : memref<640xf32, #tpu.memory_space<vmem>>, vector<16xf32>,
    %broadcast_in_dim3A_113 = arith.constant 0.000000e+00 : f32
    %broadcast_in_dim3A_114 = vector.broadcast %broadcast_in_dim3A_113 : f32 to vector<16xf32>
    %swap3A_115 = arith.constant 176 : index
    %swap3A_116 = tpu.vector_load %arg6[%swap3A_115] {strides = array<i32>} : memref<640xf32, #tpu.memory_space<vmem>>, vector<16xf32>,
    %swap3A_117 = vector.shape_cast %swap3A_116 : vector<16xf32> to vector<16xf32>
    %swap3A_118 = vector.shape_cast %broadcast_in_dim3A_114 : vector<16xf32> to vector<16xf32>
    tpu.vector_store %arg6[%swap3A_115], %swap3A_118 {strides = array<i32>} : memref<640xf32, #tpu.memory_space<vmem>>, vector<16xf32>,
    %broadcast_in_dim3A_119 = arith.constant 0.000000e+00 : f32
    %broadcast_in_dim3A_120 = vector.broadcast %broadcast_in_dim3A_119 : f32 to vector<16xf32>
    %swap3A_121 = arith.constant 192 : index
    %swap3A_122 = tpu.vector_load %arg6[%swap3A_121] {strides = array<i32>} : memref<640xf32, #tpu.memory_space<vmem>>, vector<16xf32>,
    %swap3A_123 = vector.shape_cast %swap3A_122 : vector<16xf32> to vector<16xf32>
    %swap3A_124 = vector.shape_cast %broadcast_in_dim3A_120 : vector<16xf32> to vector<16xf32>
    tpu.vector_store %arg6[%swap3A_121], %swap3A_124 {strides = array<i32>} : memref<640xf32, #tpu.memory_space<vmem>>, vector<16xf32>,
    %broadcast_in_dim3A_125 = arith.constant 0.000000e+00 : f32
    %broadcast_in_dim3A_126 = vector.broadcast %broadcast_in_dim3A_125 : f32 to vector<16xf32>
    %swap3A_127 = arith.constant 208 : index
    %swap3A_128 = tpu.vector_load %arg6[%swap3A_127] {strides = array<i32>} : memref<640xf32, #tpu.memory_space<vmem>>, vector<16xf32>,
    %swap3A_129 = vector.shape_cast %swap3A_128 : vector<16xf32> to vector<16xf32>
    %swap3A_130 = vector.shape_cast %broadcast_in_dim3A_126 : vector<16xf32> to vector<16xf32>
    tpu.vector_store %arg6[%swap3A_127], %swap3A_130 {strides = array<i32>} : memref<640xf32, #tpu.memory_space<vmem>>, vector<16xf32>,
    %broadcast_in_dim3A_131 = arith.constant 0.000000e+00 : f32
    %broadcast_in_dim3A_132 = vector.broadcast %broadcast_in_dim3A_131 : f32 to vector<16xf32>
    %swap3A_133 = arith.constant 224 : index
    %swap3A_134 = tpu.vector_load %arg6[%swap3A_133] {strides = array<i32>} : memref<640xf32, #tpu.memory_space<vmem>>, vector<16xf32>,
    %swap3A_135 = vector.shape_cast %swap3A_134 : vector<16xf32> to vector<16xf32>
    %swap3A_136 = vector.shape_cast %broadcast_in_dim3A_132 : vector<16xf32> to vector<16xf32>
    tpu.vector_store %arg6[%swap3A_133], %swap3A_136 {strides = array<i32>} : memref<640xf32, #tpu.memory_space<vmem>>, vector<16xf32>,
    %broadcast_in_dim3A_137 = arith.constant 0.000000e+00 : f32
    %broadcast_in_dim3A_138 = vector.broadcast %broadcast_in_dim3A_137 : f32 to vector<16xf32>
    %swap3A_139 = arith.constant 240 : index
    %swap3A_140 = tpu.vector_load %arg6[%swap3A_139] {strides = array<i32>} : memref<640xf32, #tpu.memory_space<vmem>>, vector<16xf32>,
    %swap3A_141 = vector.shape_cast %swap3A_140 : vector<16xf32> to vector<16xf32>
    %swap3A_142 = vector.shape_cast %broadcast_in_dim3A_138 : vector<16xf32> to vector<16xf32>
    tpu.vector_store %arg6[%swap3A_139], %swap3A_142 {strides = array<i32>} : memref<640xf32, #tpu.memory_space<vmem>>, vector<16xf32>,
    %broadcast_in_dim3A_143 = arith.constant 0.000000e+00 : f32
    %broadcast_in_dim3A_144 = vector.broadcast %broadcast_in_dim3A_143 : f32 to vector<16xf32>
    %swap3A_145 = arith.constant 256 : index
    %swap3A_146 = tpu.vector_load %arg6[%swap3A_145] {strides = array<i32>} : memref<640xf32, #tpu.memory_space<vmem>>, vector<16xf32>,
    %swap3A_147 = vector.shape_cast %swap3A_146 : vector<16xf32> to vector<16xf32>
    %swap3A_148 = vector.shape_cast %broadcast_in_dim3A_144 : vector<16xf32> to vector<16xf32>
    tpu.vector_store %arg6[%swap3A_145], %swap3A_148 {strides = array<i32>} : memref<640xf32, #tpu.memory_space<vmem>>, vector<16xf32>,
    %broadcast_in_dim3A_149 = arith.constant 0.000000e+00 : f32
    %broadcast_in_dim3A_150 = vector.broadcast %broadcast_in_dim3A_149 : f32 to vector<16xf32>
    %swap3A_151 = arith.constant 272 : index
    %swap3A_152 = tpu.vector_load %arg6[%swap3A_151] {strides = array<i32>} : memref<640xf32, #tpu.memory_space<vmem>>, vector<16xf32>,
    %swap3A_153 = vector.shape_cast %swap3A_152 : vector<16xf32> to vector<16xf32>
    %swap3A_154 = vector.shape_cast %broadcast_in_dim3A_150 : vector<16xf32> to vector<16xf32>
    tpu.vector_store %arg6[%swap3A_151], %swap3A_154 {strides = array<i32>} : memref<640xf32, #tpu.memory_space<vmem>>, vector<16xf32>,
    %broadcast_in_dim3A_155 = arith.constant 0.000000e+00 : f32
    %broadcast_in_dim3A_156 = vector.broadcast %broadcast_in_dim3A_155 : f32 to vector<16xf32>
    %swap3A_157 = arith.constant 288 : index
    %swap3A_158 = tpu.vector_load %arg6[%swap3A_157] {strides = array<i32>} : memref<640xf32, #tpu.memory_space<vmem>>, vector<16xf32>,
    %swap3A_159 = vector.shape_cast %swap3A_158 : vector<16xf32> to vector<16xf32>
    %swap3A_160 = vector.shape_cast %broadcast_in_dim3A_156 : vector<16xf32> to vector<16xf32>
    tpu.vector_store %arg6[%swap3A_157], %swap3A_160 {strides = array<i32>} : memref<640xf32, #tpu.memory_space<vmem>>, vector<16xf32>,
    %broadcast_in_dim3A_161 = arith.constant 0.000000e+00 : f32
    %broadcast_in_dim3A_162 = vector.broadcast %broadcast_in_dim3A_161 : f32 to vector<16xf32>
    %swap3A_163 = arith.constant 304 : index
    %swap3A_164 = tpu.vector_load %arg6[%swap3A_163] {strides = array<i32>} : memref<640xf32, #tpu.memory_space<vmem>>, vector<16xf32>,
    %swap3A_165 = vector.shape_cast %swap3A_164 : vector<16xf32> to vector<16xf32>
    %swap3A_166 = vector.shape_cast %broadcast_in_dim3A_162 : vector<16xf32> to vector<16xf32>
    tpu.vector_store %arg6[%swap3A_163], %swap3A_166 {strides = array<i32>} : memref<640xf32, #tpu.memory_space<vmem>>, vector<16xf32>,
    %broadcast_in_dim3A_167 = arith.constant 0.000000e+00 : f32
    %broadcast_in_dim3A_168 = vector.broadcast %broadcast_in_dim3A_167 : f32 to vector<16xf32>
    %swap3A_169 = arith.constant 320 : index
    %swap3A_170 = tpu.vector_load %arg6[%swap3A_169] {strides = array<i32>} : memref<640xf32, #tpu.memory_space<vmem>>, vector<16xf32>,
    %swap3A_171 = vector.shape_cast %swap3A_170 : vector<16xf32> to vector<16xf32>
    %swap3A_172 = vector.shape_cast %broadcast_in_dim3A_168 : vector<16xf32> to vector<16xf32>
    tpu.vector_store %arg6[%swap3A_169], %swap3A_172 {strides = array<i32>} : memref<640xf32, #tpu.memory_space<vmem>>, vector<16xf32>,
    %broadcast_in_dim3A_173 = arith.constant 0.000000e+00 : f32
    %broadcast_in_dim3A_174 = vector.broadcast %broadcast_in_dim3A_173 : f32 to vector<16xf32>
    %swap3A_175 = arith.constant 336 : index
    %swap3A_176 = tpu.vector_load %arg6[%swap3A_175] {strides = array<i32>} : memref<640xf32, #tpu.memory_space<vmem>>, vector<16xf32>,
    %swap3A_177 = vector.shape_cast %swap3A_176 : vector<16xf32> to vector<16xf32>
    %swap3A_178 = vector.shape_cast %broadcast_in_dim3A_174 : vector<16xf32> to vector<16xf32>
    tpu.vector_store %arg6[%swap3A_175], %swap3A_178 {strides = array<i32>} : memref<640xf32, #tpu.memory_space<vmem>>, vector<16xf32>,
    %broadcast_in_dim3A_179 = arith.constant 0.000000e+00 : f32
    %broadcast_in_dim3A_180 = vector.broadcast %broadcast_in_dim3A_179 : f32 to vector<16xf32>
    %swap3A_181 = arith.constant 352 : index
    %swap3A_182 = tpu.vector_load %arg6[%swap3A_181] {strides = array<i32>} : memref<640xf32, #tpu.memory_space<vmem>>, vector<16xf32>,
    %swap3A_183 = vector.shape_cast %swap3A_182 : vector<16xf32> to vector<16xf32>
    %swap3A_184 = vector.shape_cast %broadcast_in_dim3A_180 : vector<16xf32> to vector<16xf32>
    tpu.vector_store %arg6[%swap3A_181], %swap3A_184 {strides = array<i32>} : memref<640xf32, #tpu.memory_space<vmem>>, vector<16xf32>,
    %broadcast_in_dim3A_185 = arith.constant 0.000000e+00 : f32
    %broadcast_in_dim3A_186 = vector.broadcast %broadcast_in_dim3A_185 : f32 to vector<16xf32>
    %swap3A_187 = arith.constant 368 : index
    %swap3A_188 = tpu.vector_load %arg6[%swap3A_187] {strides = array<i32>} : memref<640xf32, #tpu.memory_space<vmem>>, vector<16xf32>,
    %swap3A_189 = vector.shape_cast %swap3A_188 : vector<16xf32> to vector<16xf32>
    %swap3A_190 = vector.shape_cast %broadcast_in_dim3A_186 : vector<16xf32> to vector<16xf32>
    tpu.vector_store %arg6[%swap3A_187], %swap3A_190 {strides = array<i32>} : memref<640xf32, #tpu.memory_space<vmem>>, vector<16xf32>,
    %broadcast_in_dim3A_191 = arith.constant 0.000000e+00 : f32
    %broadcast_in_dim3A_192 = vector.broadcast %broadcast_in_dim3A_191 : f32 to vector<16xf32>
    %swap3A_193 = arith.constant 384 : index
    %swap3A_194 = tpu.vector_load %arg6[%swap3A_193] {strides = array<i32>} : memref<640xf32, #tpu.memory_space<vmem>>, vector<16xf32>,
    %swap3A_195 = vector.shape_cast %swap3A_194 : vector<16xf32> to vector<16xf32>
    %swap3A_196 = vector.shape_cast %broadcast_in_dim3A_192 : vector<16xf32> to vector<16xf32>
    tpu.vector_store %arg6[%swap3A_193], %swap3A_196 {strides = array<i32>} : memref<640xf32, #tpu.memory_space<vmem>>, vector<16xf32>,
    %broadcast_in_dim3A_197 = arith.constant 0.000000e+00 : f32
    %broadcast_in_dim3A_198 = vector.broadcast %broadcast_in_dim3A_197 : f32 to vector<16xf32>
    %swap3A_199 = arith.constant 400 : index
    %swap3A_200 = tpu.vector_load %arg6[%swap3A_199] {strides = array<i32>} : memref<640xf32, #tpu.memory_space<vmem>>, vector<16xf32>,
    %swap3A_201 = vector.shape_cast %swap3A_200 : vector<16xf32> to vector<16xf32>
    %swap3A_202 = vector.shape_cast %broadcast_in_dim3A_198 : vector<16xf32> to vector<16xf32>
    tpu.vector_store %arg6[%swap3A_199], %swap3A_202 {strides = array<i32>} : memref<640xf32, #tpu.memory_space<vmem>>, vector<16xf32>,
    %broadcast_in_dim3A_203 = arith.constant 0.000000e+00 : f32
    %broadcast_in_dim3A_204 = vector.broadcast %broadcast_in_dim3A_203 : f32 to vector<16xf32>
    %swap3A_205 = arith.constant 416 : index
    %swap3A_206 = tpu.vector_load %arg6[%swap3A_205] {strides = array<i32>} : memref<640xf32, #tpu.memory_space<vmem>>, vector<16xf32>,
    %swap3A_207 = vector.shape_cast %swap3A_206 : vector<16xf32> to vector<16xf32>
    %swap3A_208 = vector.shape_cast %broadcast_in_dim3A_204 : vector<16xf32> to vector<16xf32>
    tpu.vector_store %arg6[%swap3A_205], %swap3A_208 {strides = array<i32>} : memref<640xf32, #tpu.memory_space<vmem>>, vector<16xf32>,
    %broadcast_in_dim3A_209 = arith.constant 0.000000e+00 : f32
    %broadcast_in_dim3A_210 = vector.broadcast %broadcast_in_dim3A_209 : f32 to vector<16xf32>
    %swap3A_211 = arith.constant 432 : index
    %swap3A_212 = tpu.vector_load %arg6[%swap3A_211] {strides = array<i32>} : memref<640xf32, #tpu.memory_space<vmem>>, vector<16xf32>,
    %swap3A_213 = vector.shape_cast %swap3A_212 : vector<16xf32> to vector<16xf32>
    %swap3A_214 = vector.shape_cast %broadcast_in_dim3A_210 : vector<16xf32> to vector<16xf32>
    tpu.vector_store %arg6[%swap3A_211], %swap3A_214 {strides = array<i32>} : memref<640xf32, #tpu.memory_space<vmem>>, vector<16xf32>,
    %broadcast_in_dim3A_215 = arith.constant 0.000000e+00 : f32
    %broadcast_in_dim3A_216 = vector.broadcast %broadcast_in_dim3A_215 : f32 to vector<16xf32>
    %swap3A_217 = arith.constant 448 : index
    %swap3A_218 = tpu.vector_load %arg6[%swap3A_217] {strides = array<i32>} : memref<640xf32, #tpu.memory_space<vmem>>, vector<16xf32>,
    %swap3A_219 = vector.shape_cast %swap3A_218 : vector<16xf32> to vector<16xf32>
    %swap3A_220 = vector.shape_cast %broadcast_in_dim3A_216 : vector<16xf32> to vector<16xf32>
    tpu.vector_store %arg6[%swap3A_217], %swap3A_220 {strides = array<i32>} : memref<640xf32, #tpu.memory_space<vmem>>, vector<16xf32>,
    %broadcast_in_dim3A_221 = arith.constant 0.000000e+00 : f32
    %broadcast_in_dim3A_222 = vector.broadcast %broadcast_in_dim3A_221 : f32 to vector<16xf32>
    %swap3A_223 = arith.constant 464 : index
    %swap3A_224 = tpu.vector_load %arg6[%swap3A_223] {strides = array<i32>} : memref<640xf32, #tpu.memory_space<vmem>>, vector<16xf32>,
    %swap3A_225 = vector.shape_cast %swap3A_224 : vector<16xf32> to vector<16xf32>
    %swap3A_226 = vector.shape_cast %broadcast_in_dim3A_222 : vector<16xf32> to vector<16xf32>
    tpu.vector_store %arg6[%swap3A_223], %swap3A_226 {strides = array<i32>} : memref<640xf32, #tpu.memory_space<vmem>>, vector<16xf32>,
    %broadcast_in_dim3A_227 = arith.constant 0.000000e+00 : f32
    %broadcast_in_dim3A_228 = vector.broadcast %broadcast_in_dim3A_227 : f32 to vector<16xf32>
    %swap3A_229 = arith.constant 480 : index
    %swap3A_230 = tpu.vector_load %arg6[%swap3A_229] {strides = array<i32>} : memref<640xf32, #tpu.memory_space<vmem>>, vector<16xf32>,
    %swap3A_231 = vector.shape_cast %swap3A_230 : vector<16xf32> to vector<16xf32>
    %swap3A_232 = vector.shape_cast %broadcast_in_dim3A_228 : vector<16xf32> to vector<16xf32>
    tpu.vector_store %arg6[%swap3A_229], %swap3A_232 {strides = array<i32>} : memref<640xf32, #tpu.memory_space<vmem>>, vector<16xf32>,
    %broadcast_in_dim3A_233 = arith.constant 0.000000e+00 : f32
    %broadcast_in_dim3A_234 = vector.broadcast %broadcast_in_dim3A_233 : f32 to vector<16xf32>
    %swap3A_235 = arith.constant 496 : index
    %swap3A_236 = tpu.vector_load %arg6[%swap3A_235] {strides = array<i32>} : memref<640xf32, #tpu.memory_space<vmem>>, vector<16xf32>,
    %swap3A_237 = vector.shape_cast %swap3A_236 : vector<16xf32> to vector<16xf32>
    %swap3A_238 = vector.shape_cast %broadcast_in_dim3A_234 : vector<16xf32> to vector<16xf32>
    tpu.vector_store %arg6[%swap3A_235], %swap3A_238 {strides = array<i32>} : memref<640xf32, #tpu.memory_space<vmem>>, vector<16xf32>,
    %broadcast_in_dim3A_239 = arith.constant 0.000000e+00 : f32
    %broadcast_in_dim3A_240 = vector.broadcast %broadcast_in_dim3A_239 : f32 to vector<16xf32>
    %swap3A_241 = arith.constant 512 : index
    %swap3A_242 = tpu.vector_load %arg6[%swap3A_241] {strides = array<i32>} : memref<640xf32, #tpu.memory_space<vmem>>, vector<16xf32>,
    %swap3A_243 = vector.shape_cast %swap3A_242 : vector<16xf32> to vector<16xf32>
    %swap3A_244 = vector.shape_cast %broadcast_in_dim3A_240 : vector<16xf32> to vector<16xf32>
    tpu.vector_store %arg6[%swap3A_241], %swap3A_244 {strides = array<i32>} : memref<640xf32, #tpu.memory_space<vmem>>, vector<16xf32>,
    %broadcast_in_dim3A_245 = arith.constant 0.000000e+00 : f32
    %broadcast_in_dim3A_246 = vector.broadcast %broadcast_in_dim3A_245 : f32 to vector<16xf32>
    %swap3A_247 = arith.constant 528 : index
    %swap3A_248 = tpu.vector_load %arg6[%swap3A_247] {strides = array<i32>} : memref<640xf32, #tpu.memory_space<vmem>>, vector<16xf32>,
    %swap3A_249 = vector.shape_cast %swap3A_248 : vector<16xf32> to vector<16xf32>
    %swap3A_250 = vector.shape_cast %broadcast_in_dim3A_246 : vector<16xf32> to vector<16xf32>
    tpu.vector_store %arg6[%swap3A_247], %swap3A_250 {strides = array<i32>} : memref<640xf32, #tpu.memory_space<vmem>>, vector<16xf32>,
    %broadcast_in_dim3A_251 = arith.constant 0.000000e+00 : f32
    %broadcast_in_dim3A_252 = vector.broadcast %broadcast_in_dim3A_251 : f32 to vector<16xf32>
    %swap3A_253 = arith.constant 544 : index
    %swap3A_254 = tpu.vector_load %arg6[%swap3A_253] {strides = array<i32>} : memref<640xf32, #tpu.memory_space<vmem>>, vector<16xf32>,
    %swap3A_255 = vector.shape_cast %swap3A_254 : vector<16xf32> to vector<16xf32>
    %swap3A_256 = vector.shape_cast %broadcast_in_dim3A_252 : vector<16xf32> to vector<16xf32>
    tpu.vector_store %arg6[%swap3A_253], %swap3A_256 {strides = array<i32>} : memref<640xf32, #tpu.memory_space<vmem>>, vector<16xf32>,
    %broadcast_in_dim3A_257 = arith.constant 0.000000e+00 : f32
    %broadcast_in_dim3A_258 = vector.broadcast %broadcast_in_dim3A_257 : f32 to vector<16xf32>
    %swap3A_259 = arith.constant 560 : index
    %swap3A_260 = tpu.vector_load %arg6[%swap3A_259] {strides = array<i32>} : memref<640xf32, #tpu.memory_space<vmem>>, vector<16xf32>,
    %swap3A_261 = vector.shape_cast %swap3A_260 : vector<16xf32> to vector<16xf32>
    %swap3A_262 = vector.shape_cast %broadcast_in_dim3A_258 : vector<16xf32> to vector<16xf32>
    tpu.vector_store %arg6[%swap3A_259], %swap3A_262 {strides = array<i32>} : memref<640xf32, #tpu.memory_space<vmem>>, vector<16xf32>,
    %broadcast_in_dim3A_263 = arith.constant 0.000000e+00 : f32
    %broadcast_in_dim3A_264 = vector.broadcast %broadcast_in_dim3A_263 : f32 to vector<16xf32>
    %swap3A_265 = arith.constant 576 : index
    %swap3A_266 = tpu.vector_load %arg6[%swap3A_265] {strides = array<i32>} : memref<640xf32, #tpu.memory_space<vmem>>, vector<16xf32>,
    %swap3A_267 = vector.shape_cast %swap3A_266 : vector<16xf32> to vector<16xf32>
    %swap3A_268 = vector.shape_cast %broadcast_in_dim3A_264 : vector<16xf32> to vector<16xf32>
    tpu.vector_store %arg6[%swap3A_265], %swap3A_268 {strides = array<i32>} : memref<640xf32, #tpu.memory_space<vmem>>, vector<16xf32>,
    %broadcast_in_dim3A_269 = arith.constant 0.000000e+00 : f32
    %broadcast_in_dim3A_270 = vector.broadcast %broadcast_in_dim3A_269 : f32 to vector<16xf32>
    %swap3A_271 = arith.constant 592 : index
    %swap3A_272 = tpu.vector_load %arg6[%swap3A_271] {strides = array<i32>} : memref<640xf32, #tpu.memory_space<vmem>>, vector<16xf32>,
    %swap3A_273 = vector.shape_cast %swap3A_272 : vector<16xf32> to vector<16xf32>
    %swap3A_274 = vector.shape_cast %broadcast_in_dim3A_270 : vector<16xf32> to vector<16xf32>
    tpu.vector_store %arg6[%swap3A_271], %swap3A_274 {strides = array<i32>} : memref<640xf32, #tpu.memory_space<vmem>>, vector<16xf32>,
    %broadcast_in_dim3A_275 = arith.constant 0.000000e+00 : f32
    %broadcast_in_dim3A_276 = vector.broadcast %broadcast_in_dim3A_275 : f32 to vector<16xf32>
    %swap3A_277 = arith.constant 608 : index
    %swap3A_278 = tpu.vector_load %arg6[%swap3A_277] {strides = array<i32>} : memref<640xf32, #tpu.memory_space<vmem>>, vector<16xf32>,
    %swap3A_279 = vector.shape_cast %swap3A_278 : vector<16xf32> to vector<16xf32>
    %swap3A_280 = vector.shape_cast %broadcast_in_dim3A_276 : vector<16xf32> to vector<16xf32>
    tpu.vector_store %arg6[%swap3A_277], %swap3A_280 {strides = array<i32>} : memref<640xf32, #tpu.memory_space<vmem>>, vector<16xf32>,
    %broadcast_in_dim3A_281 = arith.constant 0.000000e+00 : f32
    %broadcast_in_dim3A_282 = vector.broadcast %broadcast_in_dim3A_281 : f32 to vector<16xf32>
    %swap3A_283 = arith.constant 624 : index
    %swap3A_284 = tpu.vector_load %arg6[%swap3A_283] {strides = array<i32>} : memref<640xf32, #tpu.memory_space<vmem>>, vector<16xf32>,
    %swap3A_285 = vector.shape_cast %swap3A_284 : vector<16xf32> to vector<16xf32>
    %swap3A_286 = vector.shape_cast %broadcast_in_dim3A_282 : vector<16xf32> to vector<16xf32>
    tpu.vector_store %arg6[%swap3A_283], %swap3A_286 {strides = array<i32>} : memref<640xf32, #tpu.memory_space<vmem>>, vector<16xf32>,
    %mul3A_287 = arith.constant 640 : i32
    %mul3A_288 = arith.muli %arg1, %mul3A_287 : i32
    "tpu.region"() ({
      %run_scoped3A = tpu.sem_alloc : memref<!tpu.dma_semaphore, #tpu.memory_space<semaphore_mem>>
      %dma_start3A = tpu.memref_slice %arg7[%mul3A_288] : memref<10248xf32, #tpu.memory_space<vmem_shared>> -> memref<640xf32, #tpu.memory_space<vmem_shared>>
      %dma_start3A_298 = tpu.memref_slice %arg7[%mul3A_288] : memref<10248xf32, #tpu.memory_space<vmem_shared>> -> memref<640xf32, #tpu.memory_space<vmem_shared>>
      tpu.enqueue_dma source(%arg6 : memref<640xf32, #tpu.memory_space<vmem>>) target(%dma_start3A_298 : memref<640xf32, #tpu.memory_space<vmem_shared>>) target_semaphore(%run_scoped3A : memref<!tpu.dma_semaphore, #tpu.memory_space<semaphore_mem>>)
      %dma_wait3A = tpu.memref_slice %arg7[%mul3A_288] : memref<10248xf32, #tpu.memory_space<vmem_shared>> -> memref<640xf32, #tpu.memory_space<vmem_shared>>
      %dma_wait3A_299 = tpu.memref_slice %arg7[%mul3A_288] : memref<10248xf32, #tpu.memory_space<vmem_shared>> -> memref<640xf32, #tpu.memory_space<vmem_shared>>
      tpu.wait_dma2 semaphore(%run_scoped3A : memref<!tpu.dma_semaphore, #tpu.memory_space<semaphore_mem>>) src(%arg6 : memref<640xf32, #tpu.memory_space<vmem>>) dst(%dma_wait3A_299 : memref<640xf32, #tpu.memory_space<vmem_shared>>)
      tpu.yield
    }) : () -> ()
    "tpu.region"() ({
      %run_scoped3A = tpu.sem_alloc : memref<!tpu.dma_semaphore, #tpu.memory_space<semaphore_mem>>
      %dma_start3A = arith.constant 0 : i32
      %dma_start3A_298 = arith.constant 0 : i32
      %dma_start3A_299 = tpu.memref_slice %arg2[%add3A, %dma_start3A, %dma_start3A_298] : memref<32x40x128xi32, #tpu.memory_space<hbm>> -> memref<1x40x128xi32, #tpu.memory_space<hbm>>
      %dma_start3A_300 = tpu.memref_squeeze %dma_start3A_299 : memref<1x40x128xi32, #tpu.memory_space<hbm>> -> memref<40x128xi32, #tpu.memory_space<hbm>>
      %dma_start3A_301 = arith.constant 0 : i32
      %dma_start3A_302 = arith.constant 0 : i32
      %dma_start3A_303 = tpu.memref_slice %arg2[%add3A, %dma_start3A_301, %dma_start3A_302] : memref<32x40x128xi32, #tpu.memory_space<hbm>> -> memref<1x40x128xi32, #tpu.memory_space<hbm>>
      %dma_start3A_304 = tpu.memref_squeeze %dma_start3A_303 : memref<1x40x128xi32, #tpu.memory_space<hbm>> -> memref<40x128xi32, #tpu.memory_space<hbm>>
      tpu.enqueue_dma source(%dma_start3A_304 : memref<40x128xi32, #tpu.memory_space<hbm>>) target(%arg4 : memref<40x128xi32, #tpu.memory_space<vmem>>) target_semaphore(%run_scoped3A : memref<!tpu.dma_semaphore, #tpu.memory_space<semaphore_mem>>)
      %dma_wait3A = arith.constant 0 : i32
      %dma_wait3A_305 = arith.constant 0 : i32
      %dma_wait3A_306 = tpu.memref_slice %arg2[%add3A, %dma_wait3A, %dma_wait3A_305] : memref<32x40x128xi32, #tpu.memory_space<hbm>> -> memref<1x40x128xi32, #tpu.memory_space<hbm>>
      %dma_wait3A_307 = tpu.memref_squeeze %dma_wait3A_306 : memref<1x40x128xi32, #tpu.memory_space<hbm>> -> memref<40x128xi32, #tpu.memory_space<hbm>>
      %dma_wait3A_308 = arith.constant 0 : i32
      %dma_wait3A_309 = arith.constant 0 : i32
      %dma_wait3A_310 = tpu.memref_slice %arg2[%add3A, %dma_wait3A_308, %dma_wait3A_309] : memref<32x40x128xi32, #tpu.memory_space<hbm>> -> memref<1x40x128xi32, #tpu.memory_space<hbm>>
      %dma_wait3A_311 = tpu.memref_squeeze %dma_wait3A_310 : memref<1x40x128xi32, #tpu.memory_space<hbm>> -> memref<40x128xi32, #tpu.memory_space<hbm>>
      tpu.wait_dma2 semaphore(%run_scoped3A : memref<!tpu.dma_semaphore, #tpu.memory_space<semaphore_mem>>) src(%dma_wait3A_311 : memref<40x128xi32, #tpu.memory_space<hbm>>) dst(%arg4 : memref<40x128xi32, #tpu.memory_space<vmem>>)
      tpu.yield
    }) : () -> ()
    %barrier3A = arith.constant 0 : index
    tpu.barrier barrier_id(%barrier3A)
    %scan3A = arith.constant 0 : i32
    %scan3A_289 = arith.constant 40 : i32
    %scan3A_290 = arith.addi %scan3A, %scan3A_289 : i32
    %scan3A_291 = arith.constant 1 : i32
    scf.for %scan3A_298 = %scan3A to %scan3A_290 step %scan3A_291  : i32 {
      %mul3A_299 = arith.constant 1 : i32
      %mul3A_300 = arith.muli %scan3A_298, %mul3A_299 : i32
      %add3A_301 = arith.constant 0 : i32
      %add3A_302 = arith.addi %add3A_301, %mul3A_300 : i32
      "tpu.region"() ({
        %run_scoped3A = tpu.sem_alloc : memref<!tpu.dma_semaphore, #tpu.memory_space<semaphore_mem>>
        %dma_start3A = arith.constant 0 : i32
        %dma_start3A_303 = tpu.memref_slice %arg4[%add3A_302, %dma_start3A] : memref<40x128xi32, #tpu.memory_space<vmem>> -> memref<1x128xi32, #tpu.memory_space<vmem>>
        %dma_start3A_304 = tpu.memref_squeeze %dma_start3A_303 : memref<1x128xi32, #tpu.memory_space<vmem>> -> memref<128xi32, #tpu.memory_space<vmem>>
        %dma_start3A_305 = arith.constant 0 : i32
        %dma_start3A_306 = tpu.memref_slice %arg7[%dma_start3A_305] : memref<10248xf32, #tpu.memory_space<vmem_shared>> -> memref<10248xf32, #tpu.memory_space<vmem_shared>>
        tpu.enqueue_indirect_dma source(%arg5 : memref<128xf32, #tpu.memory_space<vmem>>) target(%dma_start3A_306 : memref<10248xf32, #tpu.memory_space<vmem_shared>>) offsets(%dma_start3A_304 : memref<128xi32, #tpu.memory_space<vmem>>) semaphore(%run_scoped3A : memref<!tpu.dma_semaphore, #tpu.memory_space<semaphore_mem>>) {add = true}
        %dma_wait3A = arith.constant 0 : i32
        %dma_wait3A_307 = tpu.memref_slice %arg4[%add3A_302, %dma_wait3A] : memref<40x128xi32, #tpu.memory_space<vmem>> -> memref<1x128xi32, #tpu.memory_space<vmem>>
        %dma_wait3A_308 = tpu.memref_squeeze %dma_wait3A_307 : memref<1x128xi32, #tpu.memory_space<vmem>> -> memref<128xi32, #tpu.memory_space<vmem>>
        %dma_wait3A_309 = arith.constant 0 : i32
        %dma_wait3A_310 = tpu.memref_slice %arg7[%dma_wait3A_309] : memref<10248xf32, #tpu.memory_space<vmem_shared>> -> memref<10248xf32, #tpu.memory_space<vmem_shared>>
        tpu.wait_indirect_dma semaphore(%run_scoped3A : memref<!tpu.dma_semaphore, #tpu.memory_space<semaphore_mem>>) src(%arg5 : memref<128xf32, #tpu.memory_space<vmem>>) dst(%dma_wait3A_310 : memref<10248xf32, #tpu.memory_space<vmem_shared>>)
        tpu.yield
      }) : () -> ()
    }
    %scan3A_292 = arith.constant 40 : i32
    %barrier3A_293 = arith.constant 0 : index
    tpu.barrier barrier_id(%barrier3A_293)
    %mul3A_294 = arith.constant 640 : i32
    %mul3A_295 = arith.muli %arg1, %mul3A_294 : i32
    %mul3A_296 = arith.constant 640 : i32
    %mul3A_297 = arith.muli %arg1, %mul3A_296 : i32
    "tpu.region"() ({
      %run_scoped3A = tpu.sem_alloc : memref<!tpu.dma_semaphore, #tpu.memory_space<semaphore_mem>>
      %dma_start3A = tpu.memref_slice %arg3[%arg0, %mul3A_297] : memref<2x10248xf32, #tpu.memory_space<hbm>> -> memref<1x640xf32, #tpu.memory_space<hbm>>
      %dma_start3A_298 = tpu.memref_squeeze %dma_start3A : memref<1x640xf32, #tpu.memory_space<hbm>> -> memref<640xf32, #tpu.memory_space<hbm>>
      %dma_start3A_299 = tpu.memref_slice %arg7[%mul3A_295] : memref<10248xf32, #tpu.memory_space<vmem_shared>> -> memref<640xf32, #tpu.memory_space<vmem_shared>>
      tpu.enqueue_dma source(%dma_start3A_299 : memref<640xf32, #tpu.memory_space<vmem_shared>>) target(%dma_start3A_298 : memref<640xf32, #tpu.memory_space<hbm>>) target_semaphore(%run_scoped3A : memref<!tpu.dma_semaphore, #tpu.memory_space<semaphore_mem>>)
      %dma_wait3A = tpu.memref_slice %arg3[%arg0, %mul3A_297] : memref<2x10248xf32, #tpu.memory_space<hbm>> -> memref<1x640xf32, #tpu.memory_space<hbm>>
      %dma_wait3A_300 = tpu.memref_squeeze %dma_wait3A : memref<1x640xf32, #tpu.memory_space<hbm>> -> memref<640xf32, #tpu.memory_space<hbm>>
      %dma_wait3A_301 = tpu.memref_slice %arg7[%mul3A_295] : memref<10248xf32, #tpu.memory_space<vmem_shared>> -> memref<640xf32, #tpu.memory_space<vmem_shared>>
      tpu.wait_dma2 semaphore(%run_scoped3A : memref<!tpu.dma_semaphore, #tpu.memory_space<semaphore_mem>>) src(%dma_wait3A_301 : memref<640xf32, #tpu.memory_space<vmem_shared>>) dst(%dma_wait3A_300 : memref<640xf32, #tpu.memory_space<hbm>>)
      tpu.yield
    }) : () -> ()
    return
  }
}

#map = affine_map<(d0, d1) -> (0, 0, 0)>
#map1 = affine_map<(d0, d1) -> (0, 0)>
module attributes {stable_mosaic.version = 14 : i64} {
  func.func @_edge_kernel(%arg0: i32, %arg1: i32, %arg2: memref<32x80x128xi32, #tpu.memory_space<hbm>>, %arg3: memref<2560x128xi32, #tpu.memory_space<hbm>>, %arg4: memref<20480x128xf32, #tpu.memory_space<hbm>>, %arg5: memref<20480x128xf32, #tpu.memory_space<hbm>>, %arg6: memref<80x128xi32, #tpu.memory_space<vmem>>, %arg7: memref<4x128xi32, #tpu.memory_space<vmem>>, %arg8: memref<128x128xf32, #tpu.memory_space<vmem>>, %arg9: memref<128x128xf32, #tpu.memory_space<vmem>>, %arg10: memref<10248x128xf32, #tpu.memory_space<vmem_shared>>, %arg11: memref<!tpu.dma_semaphore, #tpu.memory_space<semaphore_mem>>, %arg12: memref<!tpu.dma_semaphore, #tpu.memory_space<semaphore_mem>>, %arg13: memref<!tpu.dma_semaphore, #tpu.memory_space<semaphore_mem>>, %arg14: memref<!tpu.dma_semaphore, #tpu.memory_space<semaphore_mem>>, %arg15: memref<!tpu.dma_semaphore, #tpu.memory_space<semaphore_mem>>, %arg16: memref<!tpu.dma_semaphore, #tpu.memory_space<semaphore_mem>>, %arg17: memref<!tpu.dma_semaphore, #tpu.memory_space<semaphore_mem>>, %arg18: memref<!tpu.dma_semaphore, #tpu.memory_space<semaphore_mem>>) attributes {dimension_semantics = [#tpu.dimension_semantics<core_parallel>, #tpu.dimension_semantics<subcore_parallel>], iteration_bounds = array<i64: 2, 16>, scalar_prefetch = 0 : i64, scratch_operands = 13 : i64, tpu.core_type = #tpu.core_type<sc_vector_subcore>, window_params = [{transform_indices = #map}, {transform_indices = #map1}, {transform_indices = #map1}, {transform_indices = #map1}]} {
    %mul3A = arith.constant 16 : i32
    %mul3A_0 = arith.muli %arg0, %mul3A : i32
    %add3A = arith.addi %mul3A_0, %arg1 : i32
    %scan3A = arith.constant 0 : i32
    %scan3A_1 = arith.constant 128 : i32
    %scan3A_2 = arith.addi %scan3A, %scan3A_1 : i32
    %scan3A_3 = arith.constant 1 : i32
    scf.for %scan3A_132 = %scan3A to %scan3A_2 step %scan3A_3  : i32 {
      %mul3A_133 = arith.constant 1 : i32
      %mul3A_134 = arith.muli %scan3A_132, %mul3A_133 : i32
      %add3A_135 = arith.constant 0 : i32
      %add3A_136 = arith.addi %add3A_135, %mul3A_134 : i32
      %broadcast_in_dim3A = arith.constant 0.000000e+00 : f32
      %broadcast_in_dim3A_137 = vector.broadcast %broadcast_in_dim3A : f32 to vector<16xf32>
      %swap3A = arith.index_cast %add3A_136 : i32 to index
      %swap3A_138 = arith.constant 0 : index
      %swap3A_139 = tpu.vector_load %arg8[%swap3A, %swap3A_138] {strides = array<i32>} : memref<128x128xf32, #tpu.memory_space<vmem>>, vector<1x16xf32>,
      %swap3A_140 = vector.shape_cast %swap3A_139 : vector<1x16xf32> to vector<16xf32>
      %swap3A_141 = vector.shape_cast %broadcast_in_dim3A_137 : vector<16xf32> to vector<1x16xf32>
      tpu.vector_store %arg8[%swap3A, %swap3A_138], %swap3A_141 {strides = array<i32>} : memref<128x128xf32, #tpu.memory_space<vmem>>, vector<1x16xf32>,
      %broadcast_in_dim3A_142 = arith.constant 0.000000e+00 : f32
      %broadcast_in_dim3A_143 = vector.broadcast %broadcast_in_dim3A_142 : f32 to vector<16xf32>
      %swap3A_144 = arith.index_cast %add3A_136 : i32 to index
      %swap3A_145 = arith.constant 16 : index
      %swap3A_146 = tpu.vector_load %arg8[%swap3A_144, %swap3A_145] {strides = array<i32>} : memref<128x128xf32, #tpu.memory_space<vmem>>, vector<1x16xf32>,
      %swap3A_147 = vector.shape_cast %swap3A_146 : vector<1x16xf32> to vector<16xf32>
      %swap3A_148 = vector.shape_cast %broadcast_in_dim3A_143 : vector<16xf32> to vector<1x16xf32>
      tpu.vector_store %arg8[%swap3A_144, %swap3A_145], %swap3A_148 {strides = array<i32>} : memref<128x128xf32, #tpu.memory_space<vmem>>, vector<1x16xf32>,
      %broadcast_in_dim3A_149 = arith.constant 0.000000e+00 : f32
      %broadcast_in_dim3A_150 = vector.broadcast %broadcast_in_dim3A_149 : f32 to vector<16xf32>
      %swap3A_151 = arith.index_cast %add3A_136 : i32 to index
      %swap3A_152 = arith.constant 32 : index
      %swap3A_153 = tpu.vector_load %arg8[%swap3A_151, %swap3A_152] {strides = array<i32>} : memref<128x128xf32, #tpu.memory_space<vmem>>, vector<1x16xf32>,
      %swap3A_154 = vector.shape_cast %swap3A_153 : vector<1x16xf32> to vector<16xf32>
      %swap3A_155 = vector.shape_cast %broadcast_in_dim3A_150 : vector<16xf32> to vector<1x16xf32>
      tpu.vector_store %arg8[%swap3A_151, %swap3A_152], %swap3A_155 {strides = array<i32>} : memref<128x128xf32, #tpu.memory_space<vmem>>, vector<1x16xf32>,
      %broadcast_in_dim3A_156 = arith.constant 0.000000e+00 : f32
      %broadcast_in_dim3A_157 = vector.broadcast %broadcast_in_dim3A_156 : f32 to vector<16xf32>
      %swap3A_158 = arith.index_cast %add3A_136 : i32 to index
      %swap3A_159 = arith.constant 48 : index
      %swap3A_160 = tpu.vector_load %arg8[%swap3A_158, %swap3A_159] {strides = array<i32>} : memref<128x128xf32, #tpu.memory_space<vmem>>, vector<1x16xf32>,
      %swap3A_161 = vector.shape_cast %swap3A_160 : vector<1x16xf32> to vector<16xf32>
      %swap3A_162 = vector.shape_cast %broadcast_in_dim3A_157 : vector<16xf32> to vector<1x16xf32>
      tpu.vector_store %arg8[%swap3A_158, %swap3A_159], %swap3A_162 {strides = array<i32>} : memref<128x128xf32, #tpu.memory_space<vmem>>, vector<1x16xf32>,
      %broadcast_in_dim3A_163 = arith.constant 0.000000e+00 : f32
      %broadcast_in_dim3A_164 = vector.broadcast %broadcast_in_dim3A_163 : f32 to vector<16xf32>
      %swap3A_165 = arith.index_cast %add3A_136 : i32 to index
      %swap3A_166 = arith.constant 64 : index
      %swap3A_167 = tpu.vector_load %arg8[%swap3A_165, %swap3A_166] {strides = array<i32>} : memref<128x128xf32, #tpu.memory_space<vmem>>, vector<1x16xf32>,
      %swap3A_168 = vector.shape_cast %swap3A_167 : vector<1x16xf32> to vector<16xf32>
      %swap3A_169 = vector.shape_cast %broadcast_in_dim3A_164 : vector<16xf32> to vector<1x16xf32>
      tpu.vector_store %arg8[%swap3A_165, %swap3A_166], %swap3A_169 {strides = array<i32>} : memref<128x128xf32, #tpu.memory_space<vmem>>, vector<1x16xf32>,
      %broadcast_in_dim3A_170 = arith.constant 0.000000e+00 : f32
      %broadcast_in_dim3A_171 = vector.broadcast %broadcast_in_dim3A_170 : f32 to vector<16xf32>
      %swap3A_172 = arith.index_cast %add3A_136 : i32 to index
      %swap3A_173 = arith.constant 80 : index
      %swap3A_174 = tpu.vector_load %arg8[%swap3A_172, %swap3A_173] {strides = array<i32>} : memref<128x128xf32, #tpu.memory_space<vmem>>, vector<1x16xf32>,
      %swap3A_175 = vector.shape_cast %swap3A_174 : vector<1x16xf32> to vector<16xf32>
      %swap3A_176 = vector.shape_cast %broadcast_in_dim3A_171 : vector<16xf32> to vector<1x16xf32>
      tpu.vector_store %arg8[%swap3A_172, %swap3A_173], %swap3A_176 {strides = array<i32>} : memref<128x128xf32, #tpu.memory_space<vmem>>, vector<1x16xf32>,
      %broadcast_in_dim3A_177 = arith.constant 0.000000e+00 : f32
      %broadcast_in_dim3A_178 = vector.broadcast %broadcast_in_dim3A_177 : f32 to vector<16xf32>
      %swap3A_179 = arith.index_cast %add3A_136 : i32 to index
      %swap3A_180 = arith.constant 96 : index
      %swap3A_181 = tpu.vector_load %arg8[%swap3A_179, %swap3A_180] {strides = array<i32>} : memref<128x128xf32, #tpu.memory_space<vmem>>, vector<1x16xf32>,
      %swap3A_182 = vector.shape_cast %swap3A_181 : vector<1x16xf32> to vector<16xf32>
      %swap3A_183 = vector.shape_cast %broadcast_in_dim3A_178 : vector<16xf32> to vector<1x16xf32>
      tpu.vector_store %arg8[%swap3A_179, %swap3A_180], %swap3A_183 {strides = array<i32>} : memref<128x128xf32, #tpu.memory_space<vmem>>, vector<1x16xf32>,
      %broadcast_in_dim3A_184 = arith.constant 0.000000e+00 : f32
      %broadcast_in_dim3A_185 = vector.broadcast %broadcast_in_dim3A_184 : f32 to vector<16xf32>
      %swap3A_186 = arith.index_cast %add3A_136 : i32 to index
      %swap3A_187 = arith.constant 112 : index
      %swap3A_188 = tpu.vector_load %arg8[%swap3A_186, %swap3A_187] {strides = array<i32>} : memref<128x128xf32, #tpu.memory_space<vmem>>, vector<1x16xf32>,
      %swap3A_189 = vector.shape_cast %swap3A_188 : vector<1x16xf32> to vector<16xf32>
      %swap3A_190 = vector.shape_cast %broadcast_in_dim3A_185 : vector<16xf32> to vector<1x16xf32>
      tpu.vector_store %arg8[%swap3A_186, %swap3A_187], %swap3A_190 {strides = array<i32>} : memref<128x128xf32, #tpu.memory_space<vmem>>, vector<1x16xf32>,
    }
    %scan3A_4 = arith.constant 128 : i32
    %mul3A_5 = arith.constant 640 : i32
    %mul3A_6 = arith.muli %arg1, %mul3A_5 : i32
    %add3A_7 = arith.constant 0 : i32
    %add3A_8 = arith.addi %mul3A_6, %add3A_7 : i32
    "tpu.region"() ({
      %run_scoped3A = tpu.sem_alloc : memref<!tpu.dma_semaphore, #tpu.memory_space<semaphore_mem>>
      %dma_start3A_132 = arith.constant 0 : i32
      %dma_start3A_133 = tpu.memref_slice %arg10[%add3A_8, %dma_start3A_132] : memref<10248x128xf32, #tpu.memory_space<vmem_shared>> -> memref<128x128xf32, #tpu.memory_space<vmem_shared>>
      %dma_start3A_134 = arith.constant 0 : i32
      %dma_start3A_135 = tpu.memref_slice %arg10[%add3A_8, %dma_start3A_134] : memref<10248x128xf32, #tpu.memory_space<vmem_shared>> -> memref<128x128xf32, #tpu.memory_space<vmem_shared>>
      tpu.enqueue_dma source(%arg8 : memref<128x128xf32, #tpu.memory_space<vmem>>) target(%dma_start3A_135 : memref<128x128xf32, #tpu.memory_space<vmem_shared>>) target_semaphore(%run_scoped3A : memref<!tpu.dma_semaphore, #tpu.memory_space<semaphore_mem>>)
      %dma_wait3A_136 = arith.constant 0 : i32
      %dma_wait3A_137 = tpu.memref_slice %arg10[%add3A_8, %dma_wait3A_136] : memref<10248x128xf32, #tpu.memory_space<vmem_shared>> -> memref<128x128xf32, #tpu.memory_space<vmem_shared>>
      %dma_wait3A_138 = arith.constant 0 : i32
      %dma_wait3A_139 = tpu.memref_slice %arg10[%add3A_8, %dma_wait3A_138] : memref<10248x128xf32, #tpu.memory_space<vmem_shared>> -> memref<128x128xf32, #tpu.memory_space<vmem_shared>>
      tpu.wait_dma2 semaphore(%run_scoped3A : memref<!tpu.dma_semaphore, #tpu.memory_space<semaphore_mem>>) src(%arg8 : memref<128x128xf32, #tpu.memory_space<vmem>>) dst(%dma_wait3A_139 : memref<128x128xf32, #tpu.memory_space<vmem_shared>>)
      tpu.yield
    }) : () -> ()
    %mul3A_9 = arith.constant 640 : i32
    %mul3A_10 = arith.muli %arg1, %mul3A_9 : i32
    %add3A_11 = arith.constant 128 : i32
    %add3A_12 = arith.addi %mul3A_10, %add3A_11 : i32
    "tpu.region"() ({
      %run_scoped3A = tpu.sem_alloc : memref<!tpu.dma_semaphore, #tpu.memory_space<semaphore_mem>>
      %dma_start3A_132 = arith.constant 0 : i32
      %dma_start3A_133 = tpu.memref_slice %arg10[%add3A_12, %dma_start3A_132] : memref<10248x128xf32, #tpu.memory_space<vmem_shared>> -> memref<128x128xf32, #tpu.memory_space<vmem_shared>>
      %dma_start3A_134 = arith.constant 0 : i32
      %dma_start3A_135 = tpu.memref_slice %arg10[%add3A_12, %dma_start3A_134] : memref<10248x128xf32, #tpu.memory_space<vmem_shared>> -> memref<128x128xf32, #tpu.memory_space<vmem_shared>>
      tpu.enqueue_dma source(%arg8 : memref<128x128xf32, #tpu.memory_space<vmem>>) target(%dma_start3A_135 : memref<128x128xf32, #tpu.memory_space<vmem_shared>>) target_semaphore(%run_scoped3A : memref<!tpu.dma_semaphore, #tpu.memory_space<semaphore_mem>>)
      %dma_wait3A_136 = arith.constant 0 : i32
      %dma_wait3A_137 = tpu.memref_slice %arg10[%add3A_12, %dma_wait3A_136] : memref<10248x128xf32, #tpu.memory_space<vmem_shared>> -> memref<128x128xf32, #tpu.memory_space<vmem_shared>>
      %dma_wait3A_138 = arith.constant 0 : i32
      %dma_wait3A_139 = tpu.memref_slice %arg10[%add3A_12, %dma_wait3A_138] : memref<10248x128xf32, #tpu.memory_space<vmem_shared>> -> memref<128x128xf32, #tpu.memory_space<vmem_shared>>
      tpu.wait_dma2 semaphore(%run_scoped3A : memref<!tpu.dma_semaphore, #tpu.memory_space<semaphore_mem>>) src(%arg8 : memref<128x128xf32, #tpu.memory_space<vmem>>) dst(%dma_wait3A_139 : memref<128x128xf32, #tpu.memory_space<vmem_shared>>)
      tpu.yield
    }) : () -> ()
    %mul3A_13 = arith.constant 640 : i32
    %mul3A_14 = arith.muli %arg1, %mul3A_13 : i32
    %add3A_15 = arith.constant 256 : i32
    %add3A_16 = arith.addi %mul3A_14, %add3A_15 : i32
    "tpu.region"() ({
      %run_scoped3A = tpu.sem_alloc : memref<!tpu.dma_semaphore, #tpu.memory_space<semaphore_mem>>
      %dma_start3A_132 = arith.constant 0 : i32
      %dma_start3A_133 = tpu.memref_slice %arg10[%add3A_16, %dma_start3A_132] : memref<10248x128xf32, #tpu.memory_space<vmem_shared>> -> memref<128x128xf32, #tpu.memory_space<vmem_shared>>
      %dma_start3A_134 = arith.constant 0 : i32
      %dma_start3A_135 = tpu.memref_slice %arg10[%add3A_16, %dma_start3A_134] : memref<10248x128xf32, #tpu.memory_space<vmem_shared>> -> memref<128x128xf32, #tpu.memory_space<vmem_shared>>
      tpu.enqueue_dma source(%arg8 : memref<128x128xf32, #tpu.memory_space<vmem>>) target(%dma_start3A_135 : memref<128x128xf32, #tpu.memory_space<vmem_shared>>) target_semaphore(%run_scoped3A : memref<!tpu.dma_semaphore, #tpu.memory_space<semaphore_mem>>)
      %dma_wait3A_136 = arith.constant 0 : i32
      %dma_wait3A_137 = tpu.memref_slice %arg10[%add3A_16, %dma_wait3A_136] : memref<10248x128xf32, #tpu.memory_space<vmem_shared>> -> memref<128x128xf32, #tpu.memory_space<vmem_shared>>
      %dma_wait3A_138 = arith.constant 0 : i32
      %dma_wait3A_139 = tpu.memref_slice %arg10[%add3A_16, %dma_wait3A_138] : memref<10248x128xf32, #tpu.memory_space<vmem_shared>> -> memref<128x128xf32, #tpu.memory_space<vmem_shared>>
      tpu.wait_dma2 semaphore(%run_scoped3A : memref<!tpu.dma_semaphore, #tpu.memory_space<semaphore_mem>>) src(%arg8 : memref<128x128xf32, #tpu.memory_space<vmem>>) dst(%dma_wait3A_139 : memref<128x128xf32, #tpu.memory_space<vmem_shared>>)
      tpu.yield
    }) : () -> ()
    %mul3A_17 = arith.constant 640 : i32
    %mul3A_18 = arith.muli %arg1, %mul3A_17 : i32
    %add3A_19 = arith.constant 384 : i32
    %add3A_20 = arith.addi %mul3A_18, %add3A_19 : i32
    "tpu.region"() ({
      %run_scoped3A = tpu.sem_alloc : memref<!tpu.dma_semaphore, #tpu.memory_space<semaphore_mem>>
      %dma_start3A_132 = arith.constant 0 : i32
      %dma_start3A_133 = tpu.memref_slice %arg10[%add3A_20, %dma_start3A_132] : memref<10248x128xf32, #tpu.memory_space<vmem_shared>> -> memref<128x128xf32, #tpu.memory_space<vmem_shared>>
      %dma_start3A_134 = arith.constant 0 : i32
      %dma_start3A_135 = tpu.memref_slice %arg10[%add3A_20, %dma_start3A_134] : memref<10248x128xf32, #tpu.memory_space<vmem_shared>> -> memref<128x128xf32, #tpu.memory_space<vmem_shared>>
      tpu.enqueue_dma source(%arg8 : memref<128x128xf32, #tpu.memory_space<vmem>>) target(%dma_start3A_135 : memref<128x128xf32, #tpu.memory_space<vmem_shared>>) target_semaphore(%run_scoped3A : memref<!tpu.dma_semaphore, #tpu.memory_space<semaphore_mem>>)
      %dma_wait3A_136 = arith.constant 0 : i32
      %dma_wait3A_137 = tpu.memref_slice %arg10[%add3A_20, %dma_wait3A_136] : memref<10248x128xf32, #tpu.memory_space<vmem_shared>> -> memref<128x128xf32, #tpu.memory_space<vmem_shared>>
      %dma_wait3A_138 = arith.constant 0 : i32
      %dma_wait3A_139 = tpu.memref_slice %arg10[%add3A_20, %dma_wait3A_138] : memref<10248x128xf32, #tpu.memory_space<vmem_shared>> -> memref<128x128xf32, #tpu.memory_space<vmem_shared>>
      tpu.wait_dma2 semaphore(%run_scoped3A : memref<!tpu.dma_semaphore, #tpu.memory_space<semaphore_mem>>) src(%arg8 : memref<128x128xf32, #tpu.memory_space<vmem>>) dst(%dma_wait3A_139 : memref<128x128xf32, #tpu.memory_space<vmem_shared>>)
      tpu.yield
    }) : () -> ()
    %mul3A_21 = arith.constant 640 : i32
    %mul3A_22 = arith.muli %arg1, %mul3A_21 : i32
    %add3A_23 = arith.constant 512 : i32
    %add3A_24 = arith.addi %mul3A_22, %add3A_23 : i32
    "tpu.region"() ({
      %run_scoped3A = tpu.sem_alloc : memref<!tpu.dma_semaphore, #tpu.memory_space<semaphore_mem>>
      %dma_start3A_132 = arith.constant 0 : i32
      %dma_start3A_133 = tpu.memref_slice %arg10[%add3A_24, %dma_start3A_132] : memref<10248x128xf32, #tpu.memory_space<vmem_shared>> -> memref<128x128xf32, #tpu.memory_space<vmem_shared>>
      %dma_start3A_134 = arith.constant 0 : i32
      %dma_start3A_135 = tpu.memref_slice %arg10[%add3A_24, %dma_start3A_134] : memref<10248x128xf32, #tpu.memory_space<vmem_shared>> -> memref<128x128xf32, #tpu.memory_space<vmem_shared>>
      tpu.enqueue_dma source(%arg8 : memref<128x128xf32, #tpu.memory_space<vmem>>) target(%dma_start3A_135 : memref<128x128xf32, #tpu.memory_space<vmem_shared>>) target_semaphore(%run_scoped3A : memref<!tpu.dma_semaphore, #tpu.memory_space<semaphore_mem>>)
      %dma_wait3A_136 = arith.constant 0 : i32
      %dma_wait3A_137 = tpu.memref_slice %arg10[%add3A_24, %dma_wait3A_136] : memref<10248x128xf32, #tpu.memory_space<vmem_shared>> -> memref<128x128xf32, #tpu.memory_space<vmem_shared>>
      %dma_wait3A_138 = arith.constant 0 : i32
      %dma_wait3A_139 = tpu.memref_slice %arg10[%add3A_24, %dma_wait3A_138] : memref<10248x128xf32, #tpu.memory_space<vmem_shared>> -> memref<128x128xf32, #tpu.memory_space<vmem_shared>>
      tpu.wait_dma2 semaphore(%run_scoped3A : memref<!tpu.dma_semaphore, #tpu.memory_space<semaphore_mem>>) src(%arg8 : memref<128x128xf32, #tpu.memory_space<vmem>>) dst(%dma_wait3A_139 : memref<128x128xf32, #tpu.memory_space<vmem_shared>>)
      tpu.yield
    }) : () -> ()
    "tpu.region"() ({
      %run_scoped3A = tpu.sem_alloc : memref<!tpu.dma_semaphore, #tpu.memory_space<semaphore_mem>>
      %dma_start3A_132 = arith.constant 0 : i32
      %dma_start3A_133 = arith.constant 0 : i32
      %dma_start3A_134 = tpu.memref_slice %arg2[%add3A, %dma_start3A_132, %dma_start3A_133] : memref<32x80x128xi32, #tpu.memory_space<hbm>> -> memref<1x80x128xi32, #tpu.memory_space<hbm>>
      %dma_start3A_135 = tpu.memref_squeeze %dma_start3A_134 : memref<1x80x128xi32, #tpu.memory_space<hbm>> -> memref<80x128xi32, #tpu.memory_space<hbm>>
      %dma_start3A_136 = arith.constant 0 : i32
      %dma_start3A_137 = arith.constant 0 : i32
      %dma_start3A_138 = tpu.memref_slice %arg2[%add3A, %dma_start3A_136, %dma_start3A_137] : memref<32x80x128xi32, #tpu.memory_space<hbm>> -> memref<1x80x128xi32, #tpu.memory_space<hbm>>
      %dma_start3A_139 = tpu.memref_squeeze %dma_start3A_138 : memref<1x80x128xi32, #tpu.memory_space<hbm>> -> memref<80x128xi32, #tpu.memory_space<hbm>>
      tpu.enqueue_dma source(%dma_start3A_139 : memref<80x128xi32, #tpu.memory_space<hbm>>) target(%arg6 : memref<80x128xi32, #tpu.memory_space<vmem>>) target_semaphore(%run_scoped3A : memref<!tpu.dma_semaphore, #tpu.memory_space<semaphore_mem>>)
      %dma_wait3A_140 = arith.constant 0 : i32
      %dma_wait3A_141 = arith.constant 0 : i32
      %dma_wait3A_142 = tpu.memref_slice %arg2[%add3A, %dma_wait3A_140, %dma_wait3A_141] : memref<32x80x128xi32, #tpu.memory_space<hbm>> -> memref<1x80x128xi32, #tpu.memory_space<hbm>>
      %dma_wait3A_143 = tpu.memref_squeeze %dma_wait3A_142 : memref<1x80x128xi32, #tpu.memory_space<hbm>> -> memref<80x128xi32, #tpu.memory_space<hbm>>
      %dma_wait3A_144 = arith.constant 0 : i32
      %dma_wait3A_145 = arith.constant 0 : i32
      %dma_wait3A_146 = tpu.memref_slice %arg2[%add3A, %dma_wait3A_144, %dma_wait3A_145] : memref<32x80x128xi32, #tpu.memory_space<hbm>> -> memref<1x80x128xi32, #tpu.memory_space<hbm>>
      %dma_wait3A_147 = tpu.memref_squeeze %dma_wait3A_146 : memref<1x80x128xi32, #tpu.memory_space<hbm>> -> memref<80x128xi32, #tpu.memory_space<hbm>>
      tpu.wait_dma2 semaphore(%run_scoped3A : memref<!tpu.dma_semaphore, #tpu.memory_space<semaphore_mem>>) src(%dma_wait3A_147 : memref<80x128xi32, #tpu.memory_space<hbm>>) dst(%arg6 : memref<80x128xi32, #tpu.memory_space<vmem>>)
      tpu.yield
    }) : () -> ()
    %barrier3A = arith.constant 0 : index
    tpu.barrier barrier_id(%barrier3A)
    %mul3A_25 = arith.constant 80 : i32
    %mul3A_26 = arith.muli %add3A, %mul3A_25 : i32
    %add3A_27 = arith.constant 0 : i32
    %add3A_28 = arith.addi %mul3A_26, %add3A_27 : i32
    %dma_start3A = arith.constant 0 : i32
    %dma_start3A_29 = arith.constant 0 : i32
    %dma_start3A_30 = tpu.memref_slice %arg7[%dma_start3A, %dma_start3A_29] : memref<4x128xi32, #tpu.memory_space<vmem>> -> memref<1x128xi32, #tpu.memory_space<vmem>>
    %dma_start3A_31 = tpu.memref_squeeze %dma_start3A_30 : memref<1x128xi32, #tpu.memory_space<vmem>> -> memref<128xi32, #tpu.memory_space<vmem>>
    %dma_start3A_32 = arith.constant 0 : i32
    %dma_start3A_33 = tpu.memref_slice %arg3[%add3A_28, %dma_start3A_32] : memref<2560x128xi32, #tpu.memory_space<hbm>> -> memref<1x128xi32, #tpu.memory_space<hbm>>
    %dma_start3A_34 = tpu.memref_squeeze %dma_start3A_33 : memref<1x128xi32, #tpu.memory_space<hbm>> -> memref<128xi32, #tpu.memory_space<hbm>>
    %dma_start3A_35 = arith.constant 0 : i32
    %dma_start3A_36 = tpu.memref_slice %arg7[%dma_start3A, %dma_start3A_35] : memref<4x128xi32, #tpu.memory_space<vmem>> -> memref<1x128xi32, #tpu.memory_space<vmem>>
    %dma_start3A_37 = tpu.memref_squeeze %dma_start3A_36 : memref<1x128xi32, #tpu.memory_space<vmem>> -> memref<128xi32, #tpu.memory_space<vmem>>
    %dma_start3A_38 = arith.constant 0 : i32
    %dma_start3A_39 = tpu.memref_slice %arg3[%add3A_28, %dma_start3A_38] : memref<2560x128xi32, #tpu.memory_space<hbm>> -> memref<1x128xi32, #tpu.memory_space<hbm>>
    %dma_start3A_40 = tpu.memref_squeeze %dma_start3A_39 : memref<1x128xi32, #tpu.memory_space<hbm>> -> memref<128xi32, #tpu.memory_space<hbm>>
    tpu.enqueue_dma source(%dma_start3A_40 : memref<128xi32, #tpu.memory_space<hbm>>) target(%dma_start3A_37 : memref<128xi32, #tpu.memory_space<vmem>>) target_semaphore(%arg15 : memref<!tpu.dma_semaphore, #tpu.memory_space<semaphore_mem>>)
    %mul3A_41 = arith.constant 80 : i32
    %mul3A_42 = arith.muli %add3A, %mul3A_41 : i32
    %add3A_43 = arith.constant 1 : i32
    %add3A_44 = arith.addi %mul3A_42, %add3A_43 : i32
    %dma_start3A_45 = arith.constant 1 : i32
    %dma_start3A_46 = arith.constant 0 : i32
    %dma_start3A_47 = tpu.memref_slice %arg7[%dma_start3A_45, %dma_start3A_46] : memref<4x128xi32, #tpu.memory_space<vmem>> -> memref<1x128xi32, #tpu.memory_space<vmem>>
    %dma_start3A_48 = tpu.memref_squeeze %dma_start3A_47 : memref<1x128xi32, #tpu.memory_space<vmem>> -> memref<128xi32, #tpu.memory_space<vmem>>
    %dma_start3A_49 = arith.constant 0 : i32
    %dma_start3A_50 = tpu.memref_slice %arg3[%add3A_44, %dma_start3A_49] : memref<2560x128xi32, #tpu.memory_space<hbm>> -> memref<1x128xi32, #tpu.memory_space<hbm>>
    %dma_start3A_51 = tpu.memref_squeeze %dma_start3A_50 : memref<1x128xi32, #tpu.memory_space<hbm>> -> memref<128xi32, #tpu.memory_space<hbm>>
    %dma_start3A_52 = arith.constant 0 : i32
    %dma_start3A_53 = tpu.memref_slice %arg7[%dma_start3A_45, %dma_start3A_52] : memref<4x128xi32, #tpu.memory_space<vmem>> -> memref<1x128xi32, #tpu.memory_space<vmem>>
    %dma_start3A_54 = tpu.memref_squeeze %dma_start3A_53 : memref<1x128xi32, #tpu.memory_space<vmem>> -> memref<128xi32, #tpu.memory_space<vmem>>
    %dma_start3A_55 = arith.constant 0 : i32
    %dma_start3A_56 = tpu.memref_slice %arg3[%add3A_44, %dma_start3A_55] : memref<2560x128xi32, #tpu.memory_space<hbm>> -> memref<1x128xi32, #tpu.memory_space<hbm>>
    %dma_start3A_57 = tpu.memref_squeeze %dma_start3A_56 : memref<1x128xi32, #tpu.memory_space<hbm>> -> memref<128xi32, #tpu.memory_space<hbm>>
    tpu.enqueue_dma source(%dma_start3A_57 : memref<128xi32, #tpu.memory_space<hbm>>) target(%dma_start3A_54 : memref<128xi32, #tpu.memory_space<vmem>>) target_semaphore(%arg16 : memref<!tpu.dma_semaphore, #tpu.memory_space<semaphore_mem>>)
    %mul3A_58 = arith.constant 80 : i32
    %mul3A_59 = arith.muli %add3A, %mul3A_58 : i32
    %add3A_60 = arith.constant 2 : i32
    %add3A_61 = arith.addi %mul3A_59, %add3A_60 : i32
    %dma_start3A_62 = arith.constant 2 : i32
    %dma_start3A_63 = arith.constant 0 : i32
    %dma_start3A_64 = tpu.memref_slice %arg7[%dma_start3A_62, %dma_start3A_63] : memref<4x128xi32, #tpu.memory_space<vmem>> -> memref<1x128xi32, #tpu.memory_space<vmem>>
    %dma_start3A_65 = tpu.memref_squeeze %dma_start3A_64 : memref<1x128xi32, #tpu.memory_space<vmem>> -> memref<128xi32, #tpu.memory_space<vmem>>
    %dma_start3A_66 = arith.constant 0 : i32
    %dma_start3A_67 = tpu.memref_slice %arg3[%add3A_61, %dma_start3A_66] : memref<2560x128xi32, #tpu.memory_space<hbm>> -> memref<1x128xi32, #tpu.memory_space<hbm>>
    %dma_start3A_68 = tpu.memref_squeeze %dma_start3A_67 : memref<1x128xi32, #tpu.memory_space<hbm>> -> memref<128xi32, #tpu.memory_space<hbm>>
    %dma_start3A_69 = arith.constant 0 : i32
    %dma_start3A_70 = tpu.memref_slice %arg7[%dma_start3A_62, %dma_start3A_69] : memref<4x128xi32, #tpu.memory_space<vmem>> -> memref<1x128xi32, #tpu.memory_space<vmem>>
    %dma_start3A_71 = tpu.memref_squeeze %dma_start3A_70 : memref<1x128xi32, #tpu.memory_space<vmem>> -> memref<128xi32, #tpu.memory_space<vmem>>
    %dma_start3A_72 = arith.constant 0 : i32
    %dma_start3A_73 = tpu.memref_slice %arg3[%add3A_61, %dma_start3A_72] : memref<2560x128xi32, #tpu.memory_space<hbm>> -> memref<1x128xi32, #tpu.memory_space<hbm>>
    %dma_start3A_74 = tpu.memref_squeeze %dma_start3A_73 : memref<1x128xi32, #tpu.memory_space<hbm>> -> memref<128xi32, #tpu.memory_space<hbm>>
    tpu.enqueue_dma source(%dma_start3A_74 : memref<128xi32, #tpu.memory_space<hbm>>) target(%dma_start3A_71 : memref<128xi32, #tpu.memory_space<vmem>>) target_semaphore(%arg17 : memref<!tpu.dma_semaphore, #tpu.memory_space<semaphore_mem>>)
    %mul3A_75 = arith.constant 80 : i32
    %mul3A_76 = arith.muli %add3A, %mul3A_75 : i32
    %add3A_77 = arith.constant 3 : i32
    %add3A_78 = arith.addi %mul3A_76, %add3A_77 : i32
    %dma_start3A_79 = arith.constant 3 : i32
    %dma_start3A_80 = arith.constant 0 : i32
    %dma_start3A_81 = tpu.memref_slice %arg7[%dma_start3A_79, %dma_start3A_80] : memref<4x128xi32, #tpu.memory_space<vmem>> -> memref<1x128xi32, #tpu.memory_space<vmem>>
    %dma_start3A_82 = tpu.memref_squeeze %dma_start3A_81 : memref<1x128xi32, #tpu.memory_space<vmem>> -> memref<128xi32, #tpu.memory_space<vmem>>
    %dma_start3A_83 = arith.constant 0 : i32
    %dma_start3A_84 = tpu.memref_slice %arg3[%add3A_78, %dma_start3A_83] : memref<2560x128xi32, #tpu.memory_space<hbm>> -> memref<1x128xi32, #tpu.memory_space<hbm>>
    %dma_start3A_85 = tpu.memref_squeeze %dma_start3A_84 : memref<1x128xi32, #tpu.memory_space<hbm>> -> memref<128xi32, #tpu.memory_space<hbm>>
    %dma_start3A_86 = arith.constant 0 : i32
    %dma_start3A_87 = tpu.memref_slice %arg7[%dma_start3A_79, %dma_start3A_86] : memref<4x128xi32, #tpu.memory_space<vmem>> -> memref<1x128xi32, #tpu.memory_space<vmem>>
    %dma_start3A_88 = tpu.memref_squeeze %dma_start3A_87 : memref<1x128xi32, #tpu.memory_space<vmem>> -> memref<128xi32, #tpu.memory_space<vmem>>
    %dma_start3A_89 = arith.constant 0 : i32
    %dma_start3A_90 = tpu.memref_slice %arg3[%add3A_78, %dma_start3A_89] : memref<2560x128xi32, #tpu.memory_space<hbm>> -> memref<1x128xi32, #tpu.memory_space<hbm>>
    %dma_start3A_91 = tpu.memref_squeeze %dma_start3A_90 : memref<1x128xi32, #tpu.memory_space<hbm>> -> memref<128xi32, #tpu.memory_space<hbm>>
    tpu.enqueue_dma source(%dma_start3A_91 : memref<128xi32, #tpu.memory_space<hbm>>) target(%dma_start3A_88 : memref<128xi32, #tpu.memory_space<vmem>>) target_semaphore(%arg18 : memref<!tpu.dma_semaphore, #tpu.memory_space<semaphore_mem>>)
    %dma_start3A_92 = arith.constant 0 : i32
    %dma_start3A_93 = arith.constant 0 : i32
    %dma_start3A_94 = tpu.memref_slice %arg6[%dma_start3A_92, %dma_start3A_93] : memref<80x128xi32, #tpu.memory_space<vmem>> -> memref<1x128xi32, #tpu.memory_space<vmem>>
    %dma_start3A_95 = tpu.memref_squeeze %dma_start3A_94 : memref<1x128xi32, #tpu.memory_space<vmem>> -> memref<128xi32, #tpu.memory_space<vmem>>
    %dma_start3A_96 = arith.constant 0 : i32
    %dma_start3A_97 = arith.constant 0 : i32
    %dma_start3A_98 = tpu.memref_slice %arg4[%dma_start3A_96, %dma_start3A_97] : memref<20480x128xf32, #tpu.memory_space<hbm>> -> memref<20480x128xf32, #tpu.memory_space<hbm>>
    tpu.enqueue_indirect_dma source(%dma_start3A_98 : memref<20480x128xf32, #tpu.memory_space<hbm>>) target(%arg8 : memref<128x128xf32, #tpu.memory_space<vmem>>) offsets(%dma_start3A_95 : memref<128xi32, #tpu.memory_space<vmem>>) semaphore(%arg11 : memref<!tpu.dma_semaphore, #tpu.memory_space<semaphore_mem>>)
    %dma_start3A_99 = arith.constant 1 : i32
    %dma_start3A_100 = arith.constant 0 : i32
    %dma_start3A_101 = tpu.memref_slice %arg6[%dma_start3A_99, %dma_start3A_100] : memref<80x128xi32, #tpu.memory_space<vmem>> -> memref<1x128xi32, #tpu.memory_space<vmem>>
    %dma_start3A_102 = tpu.memref_squeeze %dma_start3A_101 : memref<1x128xi32, #tpu.memory_space<vmem>> -> memref<128xi32, #tpu.memory_space<vmem>>
    %dma_start3A_103 = arith.constant 0 : i32
    %dma_start3A_104 = arith.constant 0 : i32
    %dma_start3A_105 = tpu.memref_slice %arg4[%dma_start3A_103, %dma_start3A_104] : memref<20480x128xf32, #tpu.memory_space<hbm>> -> memref<20480x128xf32, #tpu.memory_space<hbm>>
    tpu.enqueue_indirect_dma source(%dma_start3A_105 : memref<20480x128xf32, #tpu.memory_space<hbm>>) target(%arg9 : memref<128x128xf32, #tpu.memory_space<vmem>>) offsets(%dma_start3A_102 : memref<128xi32, #tpu.memory_space<vmem>>) semaphore(%arg12 : memref<!tpu.dma_semaphore, #tpu.memory_space<semaphore_mem>>)
    %scan3A_106 = arith.constant 0 : i32
    %scan3A_107 = arith.constant 20 : i32
    %scan3A_108 = arith.addi %scan3A_106, %scan3A_107 : i32
    %scan3A_109 = arith.constant 1 : i32
    scf.for %scan3A_132 = %scan3A_106 to %scan3A_108 step %scan3A_109  : i32 {
      %mul3A_133 = arith.constant 4 : i32
      %mul3A_134 = arith.muli %scan3A_132, %mul3A_133 : i32
      %add3A_135 = arith.constant 0 : i32
      %add3A_136 = arith.addi %add3A_135, %mul3A_134 : i32
      %add3A_137 = arith.constant 0 : i32
      %add3A_138 = arith.addi %add3A_136, %add3A_137 : i32
      %dma_wait3A_139 = arith.constant 0 : i32
      %dma_wait3A_140 = tpu.memref_slice %arg6[%add3A_138, %dma_wait3A_139] : memref<80x128xi32, #tpu.memory_space<vmem>> -> memref<1x128xi32, #tpu.memory_space<vmem>>
      %dma_wait3A_141 = tpu.memref_squeeze %dma_wait3A_140 : memref<1x128xi32, #tpu.memory_space<vmem>> -> memref<128xi32, #tpu.memory_space<vmem>>
      %dma_wait3A_142 = arith.constant 0 : i32
      %dma_wait3A_143 = arith.constant 0 : i32
      %dma_wait3A_144 = tpu.memref_slice %arg4[%dma_wait3A_142, %dma_wait3A_143] : memref<20480x128xf32, #tpu.memory_space<hbm>> -> memref<20480x128xf32, #tpu.memory_space<hbm>>
      tpu.wait_indirect_dma semaphore(%arg11 : memref<!tpu.dma_semaphore, #tpu.memory_space<semaphore_mem>>) src(%dma_wait3A_144 : memref<20480x128xf32, #tpu.memory_space<hbm>>) dst(%arg8 : memref<128x128xf32, #tpu.memory_space<vmem>>)
      %mul3A_145 = arith.constant 80 : i32
      %mul3A_146 = arith.muli %add3A, %mul3A_145 : i32
      %add3A_147 = arith.addi %mul3A_146, %add3A_138 : i32
      %dma_wait3A_148 = arith.constant 0 : i32
      %dma_wait3A_149 = arith.constant 0 : i32
      %dma_wait3A_150 = tpu.memref_slice %arg7[%dma_wait3A_148, %dma_wait3A_149] : memref<4x128xi32, #tpu.memory_space<vmem>> -> memref<1x128xi32, #tpu.memory_space<vmem>>
      %dma_wait3A_151 = tpu.memref_squeeze %dma_wait3A_150 : memref<1x128xi32, #tpu.memory_space<vmem>> -> memref<128xi32, #tpu.memory_space<vmem>>
      %dma_wait3A_152 = arith.constant 0 : i32
      %dma_wait3A_153 = tpu.memref_slice %arg3[%add3A_147, %dma_wait3A_152] : memref<2560x128xi32, #tpu.memory_space<hbm>> -> memref<1x128xi32, #tpu.memory_space<hbm>>
      %dma_wait3A_154 = tpu.memref_squeeze %dma_wait3A_153 : memref<1x128xi32, #tpu.memory_space<hbm>> -> memref<128xi32, #tpu.memory_space<hbm>>
      %dma_wait3A_155 = arith.constant 0 : i32
      %dma_wait3A_156 = tpu.memref_slice %arg7[%dma_wait3A_148, %dma_wait3A_155] : memref<4x128xi32, #tpu.memory_space<vmem>> -> memref<1x128xi32, #tpu.memory_space<vmem>>
      %dma_wait3A_157 = tpu.memref_squeeze %dma_wait3A_156 : memref<1x128xi32, #tpu.memory_space<vmem>> -> memref<128xi32, #tpu.memory_space<vmem>>
      %dma_wait3A_158 = arith.constant 0 : i32
      %dma_wait3A_159 = tpu.memref_slice %arg3[%add3A_147, %dma_wait3A_158] : memref<2560x128xi32, #tpu.memory_space<hbm>> -> memref<1x128xi32, #tpu.memory_space<hbm>>
      %dma_wait3A_160 = tpu.memref_squeeze %dma_wait3A_159 : memref<1x128xi32, #tpu.memory_space<hbm>> -> memref<128xi32, #tpu.memory_space<hbm>>
      tpu.wait_dma2 semaphore(%arg15 : memref<!tpu.dma_semaphore, #tpu.memory_space<semaphore_mem>>) src(%dma_wait3A_160 : memref<128xi32, #tpu.memory_space<hbm>>) dst(%dma_wait3A_157 : memref<128xi32, #tpu.memory_space<vmem>>)
      %dma_start3A_161 = arith.constant 0 : i32
      %dma_start3A_162 = arith.constant 0 : i32
      %dma_start3A_163 = tpu.memref_slice %arg7[%dma_start3A_161, %dma_start3A_162] : memref<4x128xi32, #tpu.memory_space<vmem>> -> memref<1x128xi32, #tpu.memory_space<vmem>>
      %dma_start3A_164 = tpu.memref_squeeze %dma_start3A_163 : memref<1x128xi32, #tpu.memory_space<vmem>> -> memref<128xi32, #tpu.memory_space<vmem>>
      %dma_start3A_165 = arith.constant 0 : i32
      %dma_start3A_166 = arith.constant 0 : i32
      %dma_start3A_167 = tpu.memref_slice %arg10[%dma_start3A_165, %dma_start3A_166] : memref<10248x128xf32, #tpu.memory_space<vmem_shared>> -> memref<10248x128xf32, #tpu.memory_space<vmem_shared>>
      tpu.enqueue_indirect_dma source(%arg8 : memref<128x128xf32, #tpu.memory_space<vmem>>) target(%dma_start3A_167 : memref<10248x128xf32, #tpu.memory_space<vmem_shared>>) offsets(%dma_start3A_164 : memref<128xi32, #tpu.memory_space<vmem>>) semaphore(%arg13 : memref<!tpu.dma_semaphore, #tpu.memory_space<semaphore_mem>>) {add = true}
      %add3A_168 = arith.constant 2 : i32
      %add3A_169 = arith.addi %add3A_138, %add3A_168 : i32
      %lt3A = arith.constant 80 : i32
      %lt3A_170 = arith.cmpi slt, %add3A_169, %lt3A : i32
      %convert_element_type3A = arith.extui %lt3A_170 : i1 to i32
      %cond3A = arith.constant 0 : i32
      %cond3A_171 = arith.cmpi ne, %convert_element_type3A, %cond3A : i32
      scf.if %cond3A_171 {
        %dma_wait3A_286 = arith.constant 0 : i32
        %dma_wait3A_287 = arith.constant 0 : i32
        %dma_wait3A_288 = tpu.memref_slice %arg7[%dma_wait3A_286, %dma_wait3A_287] : memref<4x128xi32, #tpu.memory_space<vmem>> -> memref<1x128xi32, #tpu.memory_space<vmem>>
        %dma_wait3A_289 = tpu.memref_squeeze %dma_wait3A_288 : memref<1x128xi32, #tpu.memory_space<vmem>> -> memref<128xi32, #tpu.memory_space<vmem>>
        %dma_wait3A_290 = arith.constant 0 : i32
        %dma_wait3A_291 = arith.constant 0 : i32
        %dma_wait3A_292 = tpu.memref_slice %arg10[%dma_wait3A_290, %dma_wait3A_291] : memref<10248x128xf32, #tpu.memory_space<vmem_shared>> -> memref<10248x128xf32, #tpu.memory_space<vmem_shared>>
        tpu.wait_indirect_dma semaphore(%arg13 : memref<!tpu.dma_semaphore, #tpu.memory_space<semaphore_mem>>) src(%arg8 : memref<128x128xf32, #tpu.memory_space<vmem>>) dst(%dma_wait3A_292 : memref<10248x128xf32, #tpu.memory_space<vmem_shared>>)
        %add3A_293 = arith.constant 2 : i32
        %add3A_294 = arith.addi %add3A_138, %add3A_293 : i32
        %dma_start3A_295 = arith.constant 0 : i32
        %dma_start3A_296 = tpu.memref_slice %arg6[%add3A_294, %dma_start3A_295] : memref<80x128xi32, #tpu.memory_space<vmem>> -> memref<1x128xi32, #tpu.memory_space<vmem>>
        %dma_start3A_297 = tpu.memref_squeeze %dma_start3A_296 : memref<1x128xi32, #tpu.memory_space<vmem>> -> memref<128xi32, #tpu.memory_space<vmem>>
        %dma_start3A_298 = arith.constant 0 : i32
        %dma_start3A_299 = arith.constant 0 : i32
        %dma_start3A_300 = tpu.memref_slice %arg4[%dma_start3A_298, %dma_start3A_299] : memref<20480x128xf32, #tpu.memory_space<hbm>> -> memref<20480x128xf32, #tpu.memory_space<hbm>>
        tpu.enqueue_indirect_dma source(%dma_start3A_300 : memref<20480x128xf32, #tpu.memory_space<hbm>>) target(%arg8 : memref<128x128xf32, #tpu.memory_space<vmem>>) offsets(%dma_start3A_297 : memref<128xi32, #tpu.memory_space<vmem>>) semaphore(%arg11 : memref<!tpu.dma_semaphore, #tpu.memory_space<semaphore_mem>>)
        %add3A_301 = arith.constant 4 : i32
        %add3A_302 = arith.addi %add3A_138, %add3A_301 : i32
        %lt3A_303 = arith.constant 80 : i32
        %lt3A_304 = arith.cmpi slt, %add3A_302, %lt3A_303 : i32
        %convert_element_type3A_305 = arith.extui %lt3A_304 : i1 to i32
        %cond3A_306 = arith.constant 0 : i32
        %cond3A_307 = arith.cmpi ne, %convert_element_type3A_305, %cond3A_306 : i32
        scf.if %cond3A_307 {
          %add3A_308 = arith.constant 4 : i32
          %add3A_309 = arith.addi %add3A_138, %add3A_308 : i32
          %mul3A_310 = arith.constant 80 : i32
          %mul3A_311 = arith.muli %add3A, %mul3A_310 : i32
          %add3A_312 = arith.addi %mul3A_311, %add3A_309 : i32
          %dma_start3A_313 = arith.constant 0 : i32
          %dma_start3A_314 = arith.constant 0 : i32
          %dma_start3A_315 = tpu.memref_slice %arg7[%dma_start3A_313, %dma_start3A_314] : memref<4x128xi32, #tpu.memory_space<vmem>> -> memref<1x128xi32, #tpu.memory_space<vmem>>
          %dma_start3A_316 = tpu.memref_squeeze %dma_start3A_315 : memref<1x128xi32, #tpu.memory_space<vmem>> -> memref<128xi32, #tpu.memory_space<vmem>>
          %dma_start3A_317 = arith.constant 0 : i32
          %dma_start3A_318 = tpu.memref_slice %arg3[%add3A_312, %dma_start3A_317] : memref<2560x128xi32, #tpu.memory_space<hbm>> -> memref<1x128xi32, #tpu.memory_space<hbm>>
          %dma_start3A_319 = tpu.memref_squeeze %dma_start3A_318 : memref<1x128xi32, #tpu.memory_space<hbm>> -> memref<128xi32, #tpu.memory_space<hbm>>
          %dma_start3A_320 = arith.constant 0 : i32
          %dma_start3A_321 = tpu.memref_slice %arg7[%dma_start3A_313, %dma_start3A_320] : memref<4x128xi32, #tpu.memory_space<vmem>> -> memref<1x128xi32, #tpu.memory_space<vmem>>
          %dma_start3A_322 = tpu.memref_squeeze %dma_start3A_321 : memref<1x128xi32, #tpu.memory_space<vmem>> -> memref<128xi32, #tpu.memory_space<vmem>>
          %dma_start3A_323 = arith.constant 0 : i32
          %dma_start3A_324 = tpu.memref_slice %arg3[%add3A_312, %dma_start3A_323] : memref<2560x128xi32, #tpu.memory_space<hbm>> -> memref<1x128xi32, #tpu.memory_space<hbm>>
          %dma_start3A_325 = tpu.memref_squeeze %dma_start3A_324 : memref<1x128xi32, #tpu.memory_space<hbm>> -> memref<128xi32, #tpu.memory_space<hbm>>
          tpu.enqueue_dma source(%dma_start3A_325 : memref<128xi32, #tpu.memory_space<hbm>>) target(%dma_start3A_322 : memref<128xi32, #tpu.memory_space<vmem>>) target_semaphore(%arg15 : memref<!tpu.dma_semaphore, #tpu.memory_space<semaphore_mem>>)
        } else {
        }
      } else {
      }
      %add3A_172 = arith.constant 1 : i32
      %add3A_173 = arith.addi %add3A_136, %add3A_172 : i32
      %dma_wait3A_174 = arith.constant 0 : i32
      %dma_wait3A_175 = tpu.memref_slice %arg6[%add3A_173, %dma_wait3A_174] : memref<80x128xi32, #tpu.memory_space<vmem>> -> memref<1x128xi32, #tpu.memory_space<vmem>>
      %dma_wait3A_176 = tpu.memref_squeeze %dma_wait3A_175 : memref<1x128xi32, #tpu.memory_space<vmem>> -> memref<128xi32, #tpu.memory_space<vmem>>
      %dma_wait3A_177 = arith.constant 0 : i32
      %dma_wait3A_178 = arith.constant 0 : i32
      %dma_wait3A_179 = tpu.memref_slice %arg4[%dma_wait3A_177, %dma_wait3A_178] : memref<20480x128xf32, #tpu.memory_space<hbm>> -> memref<20480x128xf32, #tpu.memory_space<hbm>>
      tpu.wait_indirect_dma semaphore(%arg12 : memref<!tpu.dma_semaphore, #tpu.memory_space<semaphore_mem>>) src(%dma_wait3A_179 : memref<20480x128xf32, #tpu.memory_space<hbm>>) dst(%arg9 : memref<128x128xf32, #tpu.memory_space<vmem>>)
      %mul3A_180 = arith.constant 80 : i32
      %mul3A_181 = arith.muli %add3A, %mul3A_180 : i32
      %add3A_182 = arith.addi %mul3A_181, %add3A_173 : i32
      %dma_wait3A_183 = arith.constant 1 : i32
      %dma_wait3A_184 = arith.constant 0 : i32
      %dma_wait3A_185 = tpu.memref_slice %arg7[%dma_wait3A_183, %dma_wait3A_184] : memref<4x128xi32, #tpu.memory_space<vmem>> -> memref<1x128xi32, #tpu.memory_space<vmem>>
      %dma_wait3A_186 = tpu.memref_squeeze %dma_wait3A_185 : memref<1x128xi32, #tpu.memory_space<vmem>> -> memref<128xi32, #tpu.memory_space<vmem>>
      %dma_wait3A_187 = arith.constant 0 : i32
      %dma_wait3A_188 = tpu.memref_slice %arg3[%add3A_182, %dma_wait3A_187] : memref<2560x128xi32, #tpu.memory_space<hbm>> -> memref<1x128xi32, #tpu.memory_space<hbm>>
      %dma_wait3A_189 = tpu.memref_squeeze %dma_wait3A_188 : memref<1x128xi32, #tpu.memory_space<hbm>> -> memref<128xi32, #tpu.memory_space<hbm>>
      %dma_wait3A_190 = arith.constant 0 : i32
      %dma_wait3A_191 = tpu.memref_slice %arg7[%dma_wait3A_183, %dma_wait3A_190] : memref<4x128xi32, #tpu.memory_space<vmem>> -> memref<1x128xi32, #tpu.memory_space<vmem>>
      %dma_wait3A_192 = tpu.memref_squeeze %dma_wait3A_191 : memref<1x128xi32, #tpu.memory_space<vmem>> -> memref<128xi32, #tpu.memory_space<vmem>>
      %dma_wait3A_193 = arith.constant 0 : i32
      %dma_wait3A_194 = tpu.memref_slice %arg3[%add3A_182, %dma_wait3A_193] : memref<2560x128xi32, #tpu.memory_space<hbm>> -> memref<1x128xi32, #tpu.memory_space<hbm>>
      %dma_wait3A_195 = tpu.memref_squeeze %dma_wait3A_194 : memref<1x128xi32, #tpu.memory_space<hbm>> -> memref<128xi32, #tpu.memory_space<hbm>>
      tpu.wait_dma2 semaphore(%arg16 : memref<!tpu.dma_semaphore, #tpu.memory_space<semaphore_mem>>) src(%dma_wait3A_195 : memref<128xi32, #tpu.memory_space<hbm>>) dst(%dma_wait3A_192 : memref<128xi32, #tpu.memory_space<vmem>>)
      %dma_start3A_196 = arith.constant 1 : i32
      %dma_start3A_197 = arith.constant 0 : i32
      %dma_start3A_198 = tpu.memref_slice %arg7[%dma_start3A_196, %dma_start3A_197] : memref<4x128xi32, #tpu.memory_space<vmem>> -> memref<1x128xi32, #tpu.memory_space<vmem>>
      %dma_start3A_199 = tpu.memref_squeeze %dma_start3A_198 : memref<1x128xi32, #tpu.memory_space<vmem>> -> memref<128xi32, #tpu.memory_space<vmem>>
      %dma_start3A_200 = arith.constant 0 : i32
      %dma_start3A_201 = arith.constant 0 : i32
      %dma_start3A_202 = tpu.memref_slice %arg10[%dma_start3A_200, %dma_start3A_201] : memref<10248x128xf32, #tpu.memory_space<vmem_shared>> -> memref<10248x128xf32, #tpu.memory_space<vmem_shared>>
      tpu.enqueue_indirect_dma source(%arg9 : memref<128x128xf32, #tpu.memory_space<vmem>>) target(%dma_start3A_202 : memref<10248x128xf32, #tpu.memory_space<vmem_shared>>) offsets(%dma_start3A_199 : memref<128xi32, #tpu.memory_space<vmem>>) semaphore(%arg14 : memref<!tpu.dma_semaphore, #tpu.memory_space<semaphore_mem>>) {add = true}
      %add3A_203 = arith.constant 2 : i32
      %add3A_204 = arith.addi %add3A_173, %add3A_203 : i32
      %lt3A_205 = arith.constant 80 : i32
      %lt3A_206 = arith.cmpi slt, %add3A_204, %lt3A_205 : i32
      %convert_element_type3A_207 = arith.extui %lt3A_206 : i1 to i32
      %cond3A_208 = arith.constant 0 : i32
      %cond3A_209 = arith.cmpi ne, %convert_element_type3A_207, %cond3A_208 : i32
      scf.if %cond3A_209 {
        %dma_wait3A_286 = arith.constant 1 : i32
        %dma_wait3A_287 = arith.constant 0 : i32
        %dma_wait3A_288 = tpu.memref_slice %arg7[%dma_wait3A_286, %dma_wait3A_287] : memref<4x128xi32, #tpu.memory_space<vmem>> -> memref<1x128xi32, #tpu.memory_space<vmem>>
        %dma_wait3A_289 = tpu.memref_squeeze %dma_wait3A_288 : memref<1x128xi32, #tpu.memory_space<vmem>> -> memref<128xi32, #tpu.memory_space<vmem>>
        %dma_wait3A_290 = arith.constant 0 : i32
        %dma_wait3A_291 = arith.constant 0 : i32
        %dma_wait3A_292 = tpu.memref_slice %arg10[%dma_wait3A_290, %dma_wait3A_291] : memref<10248x128xf32, #tpu.memory_space<vmem_shared>> -> memref<10248x128xf32, #tpu.memory_space<vmem_shared>>
        tpu.wait_indirect_dma semaphore(%arg14 : memref<!tpu.dma_semaphore, #tpu.memory_space<semaphore_mem>>) src(%arg9 : memref<128x128xf32, #tpu.memory_space<vmem>>) dst(%dma_wait3A_292 : memref<10248x128xf32, #tpu.memory_space<vmem_shared>>)
        %add3A_293 = arith.constant 2 : i32
        %add3A_294 = arith.addi %add3A_173, %add3A_293 : i32
        %dma_start3A_295 = arith.constant 0 : i32
        %dma_start3A_296 = tpu.memref_slice %arg6[%add3A_294, %dma_start3A_295] : memref<80x128xi32, #tpu.memory_space<vmem>> -> memref<1x128xi32, #tpu.memory_space<vmem>>
        %dma_start3A_297 = tpu.memref_squeeze %dma_start3A_296 : memref<1x128xi32, #tpu.memory_space<vmem>> -> memref<128xi32, #tpu.memory_space<vmem>>
        %dma_start3A_298 = arith.constant 0 : i32
        %dma_start3A_299 = arith.constant 0 : i32
        %dma_start3A_300 = tpu.memref_slice %arg4[%dma_start3A_298, %dma_start3A_299] : memref<20480x128xf32, #tpu.memory_space<hbm>> -> memref<20480x128xf32, #tpu.memory_space<hbm>>
        tpu.enqueue_indirect_dma source(%dma_start3A_300 : memref<20480x128xf32, #tpu.memory_space<hbm>>) target(%arg9 : memref<128x128xf32, #tpu.memory_space<vmem>>) offsets(%dma_start3A_297 : memref<128xi32, #tpu.memory_space<vmem>>) semaphore(%arg12 : memref<!tpu.dma_semaphore, #tpu.memory_space<semaphore_mem>>)
        %add3A_301 = arith.constant 4 : i32
        %add3A_302 = arith.addi %add3A_173, %add3A_301 : i32
        %lt3A_303 = arith.constant 80 : i32
        %lt3A_304 = arith.cmpi slt, %add3A_302, %lt3A_303 : i32
        %convert_element_type3A_305 = arith.extui %lt3A_304 : i1 to i32
        %cond3A_306 = arith.constant 0 : i32
        %cond3A_307 = arith.cmpi ne, %convert_element_type3A_305, %cond3A_306 : i32
        scf.if %cond3A_307 {
          %add3A_308 = arith.constant 4 : i32
          %add3A_309 = arith.addi %add3A_173, %add3A_308 : i32
          %mul3A_310 = arith.constant 80 : i32
          %mul3A_311 = arith.muli %add3A, %mul3A_310 : i32
          %add3A_312 = arith.addi %mul3A_311, %add3A_309 : i32
          %dma_start3A_313 = arith.constant 1 : i32
          %dma_start3A_314 = arith.constant 0 : i32
          %dma_start3A_315 = tpu.memref_slice %arg7[%dma_start3A_313, %dma_start3A_314] : memref<4x128xi32, #tpu.memory_space<vmem>> -> memref<1x128xi32, #tpu.memory_space<vmem>>
          %dma_start3A_316 = tpu.memref_squeeze %dma_start3A_315 : memref<1x128xi32, #tpu.memory_space<vmem>> -> memref<128xi32, #tpu.memory_space<vmem>>
          %dma_start3A_317 = arith.constant 0 : i32
          %dma_start3A_318 = tpu.memref_slice %arg3[%add3A_312, %dma_start3A_317] : memref<2560x128xi32, #tpu.memory_space<hbm>> -> memref<1x128xi32, #tpu.memory_space<hbm>>
          %dma_start3A_319 = tpu.memref_squeeze %dma_start3A_318 : memref<1x128xi32, #tpu.memory_space<hbm>> -> memref<128xi32, #tpu.memory_space<hbm>>
          %dma_start3A_320 = arith.constant 0 : i32
          %dma_start3A_321 = tpu.memref_slice %arg7[%dma_start3A_313, %dma_start3A_320] : memref<4x128xi32, #tpu.memory_space<vmem>> -> memref<1x128xi32, #tpu.memory_space<vmem>>
          %dma_start3A_322 = tpu.memref_squeeze %dma_start3A_321 : memref<1x128xi32, #tpu.memory_space<vmem>> -> memref<128xi32, #tpu.memory_space<vmem>>
          %dma_start3A_323 = arith.constant 0 : i32
          %dma_start3A_324 = tpu.memref_slice %arg3[%add3A_312, %dma_start3A_323] : memref<2560x128xi32, #tpu.memory_space<hbm>> -> memref<1x128xi32, #tpu.memory_space<hbm>>
          %dma_start3A_325 = tpu.memref_squeeze %dma_start3A_324 : memref<1x128xi32, #tpu.memory_space<hbm>> -> memref<128xi32, #tpu.memory_space<hbm>>
          tpu.enqueue_dma source(%dma_start3A_325 : memref<128xi32, #tpu.memory_space<hbm>>) target(%dma_start3A_322 : memref<128xi32, #tpu.memory_space<vmem>>) target_semaphore(%arg16 : memref<!tpu.dma_semaphore, #tpu.memory_space<semaphore_mem>>)
        } else {
        }
      } else {
      }
      %add3A_210 = arith.constant 2 : i32
      %add3A_211 = arith.addi %add3A_136, %add3A_210 : i32
      %dma_wait3A_212 = arith.constant 0 : i32
      %dma_wait3A_213 = tpu.memref_slice %arg6[%add3A_211, %dma_wait3A_212] : memref<80x128xi32, #tpu.memory_space<vmem>> -> memref<1x128xi32, #tpu.memory_space<vmem>>
      %dma_wait3A_214 = tpu.memref_squeeze %dma_wait3A_213 : memref<1x128xi32, #tpu.memory_space<vmem>> -> memref<128xi32, #tpu.memory_space<vmem>>
      %dma_wait3A_215 = arith.constant 0 : i32
      %dma_wait3A_216 = arith.constant 0 : i32
      %dma_wait3A_217 = tpu.memref_slice %arg4[%dma_wait3A_215, %dma_wait3A_216] : memref<20480x128xf32, #tpu.memory_space<hbm>> -> memref<20480x128xf32, #tpu.memory_space<hbm>>
      tpu.wait_indirect_dma semaphore(%arg11 : memref<!tpu.dma_semaphore, #tpu.memory_space<semaphore_mem>>) src(%dma_wait3A_217 : memref<20480x128xf32, #tpu.memory_space<hbm>>) dst(%arg8 : memref<128x128xf32, #tpu.memory_space<vmem>>)
      %mul3A_218 = arith.constant 80 : i32
      %mul3A_219 = arith.muli %add3A, %mul3A_218 : i32
      %add3A_220 = arith.addi %mul3A_219, %add3A_211 : i32
      %dma_wait3A_221 = arith.constant 2 : i32
      %dma_wait3A_222 = arith.constant 0 : i32
      %dma_wait3A_223 = tpu.memref_slice %arg7[%dma_wait3A_221, %dma_wait3A_222] : memref<4x128xi32, #tpu.memory_space<vmem>> -> memref<1x128xi32, #tpu.memory_space<vmem>>
      %dma_wait3A_224 = tpu.memref_squeeze %dma_wait3A_223 : memref<1x128xi32, #tpu.memory_space<vmem>> -> memref<128xi32, #tpu.memory_space<vmem>>
      %dma_wait3A_225 = arith.constant 0 : i32
      %dma_wait3A_226 = tpu.memref_slice %arg3[%add3A_220, %dma_wait3A_225] : memref<2560x128xi32, #tpu.memory_space<hbm>> -> memref<1x128xi32, #tpu.memory_space<hbm>>
      %dma_wait3A_227 = tpu.memref_squeeze %dma_wait3A_226 : memref<1x128xi32, #tpu.memory_space<hbm>> -> memref<128xi32, #tpu.memory_space<hbm>>
      %dma_wait3A_228 = arith.constant 0 : i32
      %dma_wait3A_229 = tpu.memref_slice %arg7[%dma_wait3A_221, %dma_wait3A_228] : memref<4x128xi32, #tpu.memory_space<vmem>> -> memref<1x128xi32, #tpu.memory_space<vmem>>
      %dma_wait3A_230 = tpu.memref_squeeze %dma_wait3A_229 : memref<1x128xi32, #tpu.memory_space<vmem>> -> memref<128xi32, #tpu.memory_space<vmem>>
      %dma_wait3A_231 = arith.constant 0 : i32
      %dma_wait3A_232 = tpu.memref_slice %arg3[%add3A_220, %dma_wait3A_231] : memref<2560x128xi32, #tpu.memory_space<hbm>> -> memref<1x128xi32, #tpu.memory_space<hbm>>
      %dma_wait3A_233 = tpu.memref_squeeze %dma_wait3A_232 : memref<1x128xi32, #tpu.memory_space<hbm>> -> memref<128xi32, #tpu.memory_space<hbm>>
      tpu.wait_dma2 semaphore(%arg17 : memref<!tpu.dma_semaphore, #tpu.memory_space<semaphore_mem>>) src(%dma_wait3A_233 : memref<128xi32, #tpu.memory_space<hbm>>) dst(%dma_wait3A_230 : memref<128xi32, #tpu.memory_space<vmem>>)
      %dma_start3A_234 = arith.constant 2 : i32
      %dma_start3A_235 = arith.constant 0 : i32
      %dma_start3A_236 = tpu.memref_slice %arg7[%dma_start3A_234, %dma_start3A_235] : memref<4x128xi32, #tpu.memory_space<vmem>> -> memref<1x128xi32, #tpu.memory_space<vmem>>
      %dma_start3A_237 = tpu.memref_squeeze %dma_start3A_236 : memref<1x128xi32, #tpu.memory_space<vmem>> -> memref<128xi32, #tpu.memory_space<vmem>>
      %dma_start3A_238 = arith.constant 0 : i32
      %dma_start3A_239 = arith.constant 0 : i32
      %dma_start3A_240 = tpu.memref_slice %arg10[%dma_start3A_238, %dma_start3A_239] : memref<10248x128xf32, #tpu.memory_space<vmem_shared>> -> memref<10248x128xf32, #tpu.memory_space<vmem_shared>>
      tpu.enqueue_indirect_dma source(%arg8 : memref<128x128xf32, #tpu.memory_space<vmem>>) target(%dma_start3A_240 : memref<10248x128xf32, #tpu.memory_space<vmem_shared>>) offsets(%dma_start3A_237 : memref<128xi32, #tpu.memory_space<vmem>>) semaphore(%arg13 : memref<!tpu.dma_semaphore, #tpu.memory_space<semaphore_mem>>) {add = true}
      %add3A_241 = arith.constant 2 : i32
      %add3A_242 = arith.addi %add3A_211, %add3A_241 : i32
      %lt3A_243 = arith.constant 80 : i32
      %lt3A_244 = arith.cmpi slt, %add3A_242, %lt3A_243 : i32
      %convert_element_type3A_245 = arith.extui %lt3A_244 : i1 to i32
      %cond3A_246 = arith.constant 0 : i32
      %cond3A_247 = arith.cmpi ne, %convert_element_type3A_245, %cond3A_246 : i32
      scf.if %cond3A_247 {
        %dma_wait3A_286 = arith.constant 2 : i32
        %dma_wait3A_287 = arith.constant 0 : i32
        %dma_wait3A_288 = tpu.memref_slice %arg7[%dma_wait3A_286, %dma_wait3A_287] : memref<4x128xi32, #tpu.memory_space<vmem>> -> memref<1x128xi32, #tpu.memory_space<vmem>>
        %dma_wait3A_289 = tpu.memref_squeeze %dma_wait3A_288 : memref<1x128xi32, #tpu.memory_space<vmem>> -> memref<128xi32, #tpu.memory_space<vmem>>
        %dma_wait3A_290 = arith.constant 0 : i32
        %dma_wait3A_291 = arith.constant 0 : i32
        %dma_wait3A_292 = tpu.memref_slice %arg10[%dma_wait3A_290, %dma_wait3A_291] : memref<10248x128xf32, #tpu.memory_space<vmem_shared>> -> memref<10248x128xf32, #tpu.memory_space<vmem_shared>>
        tpu.wait_indirect_dma semaphore(%arg13 : memref<!tpu.dma_semaphore, #tpu.memory_space<semaphore_mem>>) src(%arg8 : memref<128x128xf32, #tpu.memory_space<vmem>>) dst(%dma_wait3A_292 : memref<10248x128xf32, #tpu.memory_space<vmem_shared>>)
        %add3A_293 = arith.constant 2 : i32
        %add3A_294 = arith.addi %add3A_211, %add3A_293 : i32
        %dma_start3A_295 = arith.constant 0 : i32
        %dma_start3A_296 = tpu.memref_slice %arg6[%add3A_294, %dma_start3A_295] : memref<80x128xi32, #tpu.memory_space<vmem>> -> memref<1x128xi32, #tpu.memory_space<vmem>>
        %dma_start3A_297 = tpu.memref_squeeze %dma_start3A_296 : memref<1x128xi32, #tpu.memory_space<vmem>> -> memref<128xi32, #tpu.memory_space<vmem>>
        %dma_start3A_298 = arith.constant 0 : i32
        %dma_start3A_299 = arith.constant 0 : i32
        %dma_start3A_300 = tpu.memref_slice %arg4[%dma_start3A_298, %dma_start3A_299] : memref<20480x128xf32, #tpu.memory_space<hbm>> -> memref<20480x128xf32, #tpu.memory_space<hbm>>
        tpu.enqueue_indirect_dma source(%dma_start3A_300 : memref<20480x128xf32, #tpu.memory_space<hbm>>) target(%arg8 : memref<128x128xf32, #tpu.memory_space<vmem>>) offsets(%dma_start3A_297 : memref<128xi32, #tpu.memory_space<vmem>>) semaphore(%arg11 : memref<!tpu.dma_semaphore, #tpu.memory_space<semaphore_mem>>)
        %add3A_301 = arith.constant 4 : i32
        %add3A_302 = arith.addi %add3A_211, %add3A_301 : i32
        %lt3A_303 = arith.constant 80 : i32
        %lt3A_304 = arith.cmpi slt, %add3A_302, %lt3A_303 : i32
        %convert_element_type3A_305 = arith.extui %lt3A_304 : i1 to i32
        %cond3A_306 = arith.constant 0 : i32
        %cond3A_307 = arith.cmpi ne, %convert_element_type3A_305, %cond3A_306 : i32
        scf.if %cond3A_307 {
          %add3A_308 = arith.constant 4 : i32
          %add3A_309 = arith.addi %add3A_211, %add3A_308 : i32
          %mul3A_310 = arith.constant 80 : i32
          %mul3A_311 = arith.muli %add3A, %mul3A_310 : i32
          %add3A_312 = arith.addi %mul3A_311, %add3A_309 : i32
          %dma_start3A_313 = arith.constant 2 : i32
          %dma_start3A_314 = arith.constant 0 : i32
          %dma_start3A_315 = tpu.memref_slice %arg7[%dma_start3A_313, %dma_start3A_314] : memref<4x128xi32, #tpu.memory_space<vmem>> -> memref<1x128xi32, #tpu.memory_space<vmem>>
          %dma_start3A_316 = tpu.memref_squeeze %dma_start3A_315 : memref<1x128xi32, #tpu.memory_space<vmem>> -> memref<128xi32, #tpu.memory_space<vmem>>
          %dma_start3A_317 = arith.constant 0 : i32
          %dma_start3A_318 = tpu.memref_slice %arg3[%add3A_312, %dma_start3A_317] : memref<2560x128xi32, #tpu.memory_space<hbm>> -> memref<1x128xi32, #tpu.memory_space<hbm>>
          %dma_start3A_319 = tpu.memref_squeeze %dma_start3A_318 : memref<1x128xi32, #tpu.memory_space<hbm>> -> memref<128xi32, #tpu.memory_space<hbm>>
          %dma_start3A_320 = arith.constant 0 : i32
          %dma_start3A_321 = tpu.memref_slice %arg7[%dma_start3A_313, %dma_start3A_320] : memref<4x128xi32, #tpu.memory_space<vmem>> -> memref<1x128xi32, #tpu.memory_space<vmem>>
          %dma_start3A_322 = tpu.memref_squeeze %dma_start3A_321 : memref<1x128xi32, #tpu.memory_space<vmem>> -> memref<128xi32, #tpu.memory_space<vmem>>
          %dma_start3A_323 = arith.constant 0 : i32
          %dma_start3A_324 = tpu.memref_slice %arg3[%add3A_312, %dma_start3A_323] : memref<2560x128xi32, #tpu.memory_space<hbm>> -> memref<1x128xi32, #tpu.memory_space<hbm>>
          %dma_start3A_325 = tpu.memref_squeeze %dma_start3A_324 : memref<1x128xi32, #tpu.memory_space<hbm>> -> memref<128xi32, #tpu.memory_space<hbm>>
          tpu.enqueue_dma source(%dma_start3A_325 : memref<128xi32, #tpu.memory_space<hbm>>) target(%dma_start3A_322 : memref<128xi32, #tpu.memory_space<vmem>>) target_semaphore(%arg17 : memref<!tpu.dma_semaphore, #tpu.memory_space<semaphore_mem>>)
        } else {
        }
      } else {
      }
      %add3A_248 = arith.constant 3 : i32
      %add3A_249 = arith.addi %add3A_136, %add3A_248 : i32
      %dma_wait3A_250 = arith.constant 0 : i32
      %dma_wait3A_251 = tpu.memref_slice %arg6[%add3A_249, %dma_wait3A_250] : memref<80x128xi32, #tpu.memory_space<vmem>> -> memref<1x128xi32, #tpu.memory_space<vmem>>
      %dma_wait3A_252 = tpu.memref_squeeze %dma_wait3A_251 : memref<1x128xi32, #tpu.memory_space<vmem>> -> memref<128xi32, #tpu.memory_space<vmem>>
      %dma_wait3A_253 = arith.constant 0 : i32
      %dma_wait3A_254 = arith.constant 0 : i32
      %dma_wait3A_255 = tpu.memref_slice %arg4[%dma_wait3A_253, %dma_wait3A_254] : memref<20480x128xf32, #tpu.memory_space<hbm>> -> memref<20480x128xf32, #tpu.memory_space<hbm>>
      tpu.wait_indirect_dma semaphore(%arg12 : memref<!tpu.dma_semaphore, #tpu.memory_space<semaphore_mem>>) src(%dma_wait3A_255 : memref<20480x128xf32, #tpu.memory_space<hbm>>) dst(%arg9 : memref<128x128xf32, #tpu.memory_space<vmem>>)
      %mul3A_256 = arith.constant 80 : i32
      %mul3A_257 = arith.muli %add3A, %mul3A_256 : i32
      %add3A_258 = arith.addi %mul3A_257, %add3A_249 : i32
      %dma_wait3A_259 = arith.constant 3 : i32
      %dma_wait3A_260 = arith.constant 0 : i32
      %dma_wait3A_261 = tpu.memref_slice %arg7[%dma_wait3A_259, %dma_wait3A_260] : memref<4x128xi32, #tpu.memory_space<vmem>> -> memref<1x128xi32, #tpu.memory_space<vmem>>
      %dma_wait3A_262 = tpu.memref_squeeze %dma_wait3A_261 : memref<1x128xi32, #tpu.memory_space<vmem>> -> memref<128xi32, #tpu.memory_space<vmem>>
      %dma_wait3A_263 = arith.constant 0 : i32
      %dma_wait3A_264 = tpu.memref_slice %arg3[%add3A_258, %dma_wait3A_263] : memref<2560x128xi32, #tpu.memory_space<hbm>> -> memref<1x128xi32, #tpu.memory_space<hbm>>
      %dma_wait3A_265 = tpu.memref_squeeze %dma_wait3A_264 : memref<1x128xi32, #tpu.memory_space<hbm>> -> memref<128xi32, #tpu.memory_space<hbm>>
      %dma_wait3A_266 = arith.constant 0 : i32
      %dma_wait3A_267 = tpu.memref_slice %arg7[%dma_wait3A_259, %dma_wait3A_266] : memref<4x128xi32, #tpu.memory_space<vmem>> -> memref<1x128xi32, #tpu.memory_space<vmem>>
      %dma_wait3A_268 = tpu.memref_squeeze %dma_wait3A_267 : memref<1x128xi32, #tpu.memory_space<vmem>> -> memref<128xi32, #tpu.memory_space<vmem>>
      %dma_wait3A_269 = arith.constant 0 : i32
      %dma_wait3A_270 = tpu.memref_slice %arg3[%add3A_258, %dma_wait3A_269] : memref<2560x128xi32, #tpu.memory_space<hbm>> -> memref<1x128xi32, #tpu.memory_space<hbm>>
      %dma_wait3A_271 = tpu.memref_squeeze %dma_wait3A_270 : memref<1x128xi32, #tpu.memory_space<hbm>> -> memref<128xi32, #tpu.memory_space<hbm>>
      tpu.wait_dma2 semaphore(%arg18 : memref<!tpu.dma_semaphore, #tpu.memory_space<semaphore_mem>>) src(%dma_wait3A_271 : memref<128xi32, #tpu.memory_space<hbm>>) dst(%dma_wait3A_268 : memref<128xi32, #tpu.memory_space<vmem>>)
      %dma_start3A_272 = arith.constant 3 : i32
      %dma_start3A_273 = arith.constant 0 : i32
      %dma_start3A_274 = tpu.memref_slice %arg7[%dma_start3A_272, %dma_start3A_273] : memref<4x128xi32, #tpu.memory_space<vmem>> -> memref<1x128xi32, #tpu.memory_space<vmem>>
      %dma_start3A_275 = tpu.memref_squeeze %dma_start3A_274 : memref<1x128xi32, #tpu.memory_space<vmem>> -> memref<128xi32, #tpu.memory_space<vmem>>
      %dma_start3A_276 = arith.constant 0 : i32
      %dma_start3A_277 = arith.constant 0 : i32
      %dma_start3A_278 = tpu.memref_slice %arg10[%dma_start3A_276, %dma_start3A_277] : memref<10248x128xf32, #tpu.memory_space<vmem_shared>> -> memref<10248x128xf32, #tpu.memory_space<vmem_shared>>
      tpu.enqueue_indirect_dma source(%arg9 : memref<128x128xf32, #tpu.memory_space<vmem>>) target(%dma_start3A_278 : memref<10248x128xf32, #tpu.memory_space<vmem_shared>>) offsets(%dma_start3A_275 : memref<128xi32, #tpu.memory_space<vmem>>) semaphore(%arg14 : memref<!tpu.dma_semaphore, #tpu.memory_space<semaphore_mem>>) {add = true}
      %add3A_279 = arith.constant 2 : i32
      %add3A_280 = arith.addi %add3A_249, %add3A_279 : i32
      %lt3A_281 = arith.constant 80 : i32
      %lt3A_282 = arith.cmpi slt, %add3A_280, %lt3A_281 : i32
      %convert_element_type3A_283 = arith.extui %lt3A_282 : i1 to i32
      %cond3A_284 = arith.constant 0 : i32
      %cond3A_285 = arith.cmpi ne, %convert_element_type3A_283, %cond3A_284 : i32
      scf.if %cond3A_285 {
        %dma_wait3A_286 = arith.constant 3 : i32
        %dma_wait3A_287 = arith.constant 0 : i32
        %dma_wait3A_288 = tpu.memref_slice %arg7[%dma_wait3A_286, %dma_wait3A_287] : memref<4x128xi32, #tpu.memory_space<vmem>> -> memref<1x128xi32, #tpu.memory_space<vmem>>
        %dma_wait3A_289 = tpu.memref_squeeze %dma_wait3A_288 : memref<1x128xi32, #tpu.memory_space<vmem>> -> memref<128xi32, #tpu.memory_space<vmem>>
        %dma_wait3A_290 = arith.constant 0 : i32
        %dma_wait3A_291 = arith.constant 0 : i32
        %dma_wait3A_292 = tpu.memref_slice %arg10[%dma_wait3A_290, %dma_wait3A_291] : memref<10248x128xf32, #tpu.memory_space<vmem_shared>> -> memref<10248x128xf32, #tpu.memory_space<vmem_shared>>
        tpu.wait_indirect_dma semaphore(%arg14 : memref<!tpu.dma_semaphore, #tpu.memory_space<semaphore_mem>>) src(%arg9 : memref<128x128xf32, #tpu.memory_space<vmem>>) dst(%dma_wait3A_292 : memref<10248x128xf32, #tpu.memory_space<vmem_shared>>)
        %add3A_293 = arith.constant 2 : i32
        %add3A_294 = arith.addi %add3A_249, %add3A_293 : i32
        %dma_start3A_295 = arith.constant 0 : i32
        %dma_start3A_296 = tpu.memref_slice %arg6[%add3A_294, %dma_start3A_295] : memref<80x128xi32, #tpu.memory_space<vmem>> -> memref<1x128xi32, #tpu.memory_space<vmem>>
        %dma_start3A_297 = tpu.memref_squeeze %dma_start3A_296 : memref<1x128xi32, #tpu.memory_space<vmem>> -> memref<128xi32, #tpu.memory_space<vmem>>
        %dma_start3A_298 = arith.constant 0 : i32
        %dma_start3A_299 = arith.constant 0 : i32
        %dma_start3A_300 = tpu.memref_slice %arg4[%dma_start3A_298, %dma_start3A_299] : memref<20480x128xf32, #tpu.memory_space<hbm>> -> memref<20480x128xf32, #tpu.memory_space<hbm>>
        tpu.enqueue_indirect_dma source(%dma_start3A_300 : memref<20480x128xf32, #tpu.memory_space<hbm>>) target(%arg9 : memref<128x128xf32, #tpu.memory_space<vmem>>) offsets(%dma_start3A_297 : memref<128xi32, #tpu.memory_space<vmem>>) semaphore(%arg12 : memref<!tpu.dma_semaphore, #tpu.memory_space<semaphore_mem>>)
        %add3A_301 = arith.constant 4 : i32
        %add3A_302 = arith.addi %add3A_249, %add3A_301 : i32
        %lt3A_303 = arith.constant 80 : i32
        %lt3A_304 = arith.cmpi slt, %add3A_302, %lt3A_303 : i32
        %convert_element_type3A_305 = arith.extui %lt3A_304 : i1 to i32
        %cond3A_306 = arith.constant 0 : i32
        %cond3A_307 = arith.cmpi ne, %convert_element_type3A_305, %cond3A_306 : i32
        scf.if %cond3A_307 {
          %add3A_308 = arith.constant 4 : i32
          %add3A_309 = arith.addi %add3A_249, %add3A_308 : i32
          %mul3A_310 = arith.constant 80 : i32
          %mul3A_311 = arith.muli %add3A, %mul3A_310 : i32
          %add3A_312 = arith.addi %mul3A_311, %add3A_309 : i32
          %dma_start3A_313 = arith.constant 3 : i32
          %dma_start3A_314 = arith.constant 0 : i32
          %dma_start3A_315 = tpu.memref_slice %arg7[%dma_start3A_313, %dma_start3A_314] : memref<4x128xi32, #tpu.memory_space<vmem>> -> memref<1x128xi32, #tpu.memory_space<vmem>>
          %dma_start3A_316 = tpu.memref_squeeze %dma_start3A_315 : memref<1x128xi32, #tpu.memory_space<vmem>> -> memref<128xi32, #tpu.memory_space<vmem>>
          %dma_start3A_317 = arith.constant 0 : i32
          %dma_start3A_318 = tpu.memref_slice %arg3[%add3A_312, %dma_start3A_317] : memref<2560x128xi32, #tpu.memory_space<hbm>> -> memref<1x128xi32, #tpu.memory_space<hbm>>
          %dma_start3A_319 = tpu.memref_squeeze %dma_start3A_318 : memref<1x128xi32, #tpu.memory_space<hbm>> -> memref<128xi32, #tpu.memory_space<hbm>>
          %dma_start3A_320 = arith.constant 0 : i32
          %dma_start3A_321 = tpu.memref_slice %arg7[%dma_start3A_313, %dma_start3A_320] : memref<4x128xi32, #tpu.memory_space<vmem>> -> memref<1x128xi32, #tpu.memory_space<vmem>>
          %dma_start3A_322 = tpu.memref_squeeze %dma_start3A_321 : memref<1x128xi32, #tpu.memory_space<vmem>> -> memref<128xi32, #tpu.memory_space<vmem>>
          %dma_start3A_323 = arith.constant 0 : i32
          %dma_start3A_324 = tpu.memref_slice %arg3[%add3A_312, %dma_start3A_323] : memref<2560x128xi32, #tpu.memory_space<hbm>> -> memref<1x128xi32, #tpu.memory_space<hbm>>
          %dma_start3A_325 = tpu.memref_squeeze %dma_start3A_324 : memref<1x128xi32, #tpu.memory_space<hbm>> -> memref<128xi32, #tpu.memory_space<hbm>>
          tpu.enqueue_dma source(%dma_start3A_325 : memref<128xi32, #tpu.memory_space<hbm>>) target(%dma_start3A_322 : memref<128xi32, #tpu.memory_space<vmem>>) target_semaphore(%arg18 : memref<!tpu.dma_semaphore, #tpu.memory_space<semaphore_mem>>)
        } else {
        }
      } else {
      }
    }
    %scan3A_110 = arith.constant 20 : i32
    %dma_wait3A = arith.constant 2 : i32
    %dma_wait3A_111 = arith.constant 0 : i32
    %dma_wait3A_112 = tpu.memref_slice %arg7[%dma_wait3A, %dma_wait3A_111] : memref<4x128xi32, #tpu.memory_space<vmem>> -> memref<1x128xi32, #tpu.memory_space<vmem>>
    %dma_wait3A_113 = tpu.memref_squeeze %dma_wait3A_112 : memref<1x128xi32, #tpu.memory_space<vmem>> -> memref<128xi32, #tpu.memory_space<vmem>>
    %dma_wait3A_114 = arith.constant 0 : i32
    %dma_wait3A_115 = arith.constant 0 : i32
    %dma_wait3A_116 = tpu.memref_slice %arg10[%dma_wait3A_114, %dma_wait3A_115] : memref<10248x128xf32, #tpu.memory_space<vmem_shared>> -> memref<10248x128xf32, #tpu.memory_space<vmem_shared>>
    tpu.wait_indirect_dma semaphore(%arg13 : memref<!tpu.dma_semaphore, #tpu.memory_space<semaphore_mem>>) src(%arg8 : memref<128x128xf32, #tpu.memory_space<vmem>>) dst(%dma_wait3A_116 : memref<10248x128xf32, #tpu.memory_space<vmem_shared>>)
    %dma_wait3A_117 = arith.constant 3 : i32
    %dma_wait3A_118 = arith.constant 0 : i32
    %dma_wait3A_119 = tpu.memref_slice %arg7[%dma_wait3A_117, %dma_wait3A_118] : memref<4x128xi32, #tpu.memory_space<vmem>> -> memref<1x128xi32, #tpu.memory_space<vmem>>
    %dma_wait3A_120 = tpu.memref_squeeze %dma_wait3A_119 : memref<1x128xi32, #tpu.memory_space<vmem>> -> memref<128xi32, #tpu.memory_space<vmem>>
    %dma_wait3A_121 = arith.constant 0 : i32
    %dma_wait3A_122 = arith.constant 0 : i32
    %dma_wait3A_123 = tpu.memref_slice %arg10[%dma_wait3A_121, %dma_wait3A_122] : memref<10248x128xf32, #tpu.memory_space<vmem_shared>> -> memref<10248x128xf32, #tpu.memory_space<vmem_shared>>
    tpu.wait_indirect_dma semaphore(%arg14 : memref<!tpu.dma_semaphore, #tpu.memory_space<semaphore_mem>>) src(%arg9 : memref<128x128xf32, #tpu.memory_space<vmem>>) dst(%dma_wait3A_123 : memref<10248x128xf32, #tpu.memory_space<vmem_shared>>)
    %barrier3A_124 = arith.constant 0 : index
    tpu.barrier barrier_id(%barrier3A_124)
    %mul3A_125 = arith.constant 640 : i32
    %mul3A_126 = arith.muli %arg1, %mul3A_125 : i32
    %mul3A_127 = arith.constant 10240 : i32
    %mul3A_128 = arith.muli %arg0, %mul3A_127 : i32
    %mul3A_129 = arith.constant 640 : i32
    %mul3A_130 = arith.muli %arg1, %mul3A_129 : i32
    %add3A_131 = arith.addi %mul3A_128, %mul3A_130 : i32
    "tpu.region"() ({
      %run_scoped3A = tpu.sem_alloc : memref<!tpu.dma_semaphore, #tpu.memory_space<semaphore_mem>>
      %dma_start3A_132 = arith.constant 0 : i32
      %dma_start3A_133 = tpu.memref_slice %arg5[%add3A_131, %dma_start3A_132] : memref<20480x128xf32, #tpu.memory_space<hbm>> -> memref<640x128xf32, #tpu.memory_space<hbm>>
      %dma_start3A_134 = arith.constant 0 : i32
      %dma_start3A_135 = tpu.memref_slice %arg10[%mul3A_126, %dma_start3A_134] : memref<10248x128xf32, #tpu.memory_space<vmem_shared>> -> memref<640x128xf32, #tpu.memory_space<vmem_shared>>
      tpu.enqueue_dma source(%dma_start3A_135 : memref<640x128xf32, #tpu.memory_space<vmem_shared>>) target(%dma_start3A_133 : memref<640x128xf32, #tpu.memory_space<hbm>>) target_semaphore(%run_scoped3A : memref<!tpu.dma_semaphore, #tpu.memory_space<semaphore_mem>>)
      %dma_wait3A_136 = arith.constant 0 : i32
      %dma_wait3A_137 = tpu.memref_slice %arg5[%add3A_131, %dma_wait3A_136] : memref<20480x128xf32, #tpu.memory_space<hbm>> -> memref<640x128xf32, #tpu.memory_space<hbm>>
      %dma_wait3A_138 = arith.constant 0 : i32
      %dma_wait3A_139 = tpu.memref_slice %arg10[%mul3A_126, %dma_wait3A_138] : memref<10248x128xf32, #tpu.memory_space<vmem_shared>> -> memref<640x128xf32, #tpu.memory_space<vmem_shared>>
      tpu.wait_dma2 semaphore(%run_scoped3A : memref<!tpu.dma_semaphore, #tpu.memory_space<semaphore_mem>>) src(%dma_wait3A_139 : memref<640x128xf32, #tpu.memory_space<vmem_shared>>) dst(%dma_wait3A_137 : memref<640x128xf32, #tpu.memory_space<hbm>>)
      tpu.yield
    }) : () -> ()
    return
  }
}

module attributes {stable_mosaic.version = 14 : i64} {
  func.func @_mm_body(%arg0: i32, %arg1: i32, %arg2: memref<512x256xf32, #tpu.memory_space<vmem>>, %arg3: memref<256x128xf32, #tpu.memory_space<vmem>>, %arg4: memref<2x512xf32, #tpu.memory_space<vmem>>, %arg5: memref<512x128xf32, #tpu.memory_space<vmem>>) attributes {dimension_semantics = [#tpu.dimension_semantics<arbitrary>, #tpu.dimension_semantics<arbitrary>], iteration_bounds = array<i64: 2, 20>, scalar_prefetch = 0 : i64, scratch_operands = 0 : i64, tpu.core_type = #tpu.core_type<tc>, window_params = [{transform_indices = @transform_0, window_bounds = array<i64: 512, 256>}, {transform_indices = @transform_1, window_bounds = array<i64: 256, 128>}, {transform_indices = @transform_2, window_bounds = array<i64: 2, 512>}, {transform_indices = @transform_3, window_bounds = array<i64: 512, 128>}]} {
    %get3A = arith.constant 0 : index
    %get3A_0 = arith.constant 0 : index
    %get3A_1 = vector.load %arg2[%get3A, %get3A_0] : memref<512x256xf32, #tpu.memory_space<vmem>>, vector<512x256xf32>
    %get3A_2 = arith.constant 0 : index
    %get3A_3 = arith.constant 0 : index
    %get3A_4 = vector.load %arg3[%get3A_2, %get3A_3] : memref<256x128xf32, #tpu.memory_space<vmem>>, vector<256x128xf32>
    %dot_general3A = arith.constant dense<0.000000e+00> : vector<512x128xf32>
    %dot_general3A_5 = tpu.matmul %get3A_1, %get3A_4, %dot_general3A {dimension_numbers = #tpu.dot_dimension_numbers<[1], [0], [0], [1], [0, 0, 1, 1], [], []>, transpose_lhs_hint = false} : vector<512x256xf32>, vector<256x128xf32>, vector<512x128xf32> -> vector<512x128xf32>
    %get3A_6 = arith.constant 0 : index
    %get3A_7 = arith.constant 0 : index
    %get3A_8 = vector.load %arg4[%get3A_6, %get3A_7] : memref<2x512xf32, #tpu.memory_space<vmem>>, vector<1x512xf32>
    %get3A_9 = vector.shape_cast %get3A_8 : vector<1x512xf32> to vector<512xf32>
    %get3A_10 = arith.constant 1 : index
    %get3A_11 = arith.constant 0 : index
    %get3A_12 = vector.load %arg4[%get3A_10, %get3A_11] : memref<2x512xf32, #tpu.memory_space<vmem>>, vector<1x512xf32>
    %get3A_13 = vector.shape_cast %get3A_12 : vector<1x512xf32> to vector<512xf32>
    %add3A = arith.addf %get3A_9, %get3A_13 : vector<512xf32>
    %add3A_14 = arith.constant 1.000000e+00 : f32
    %add3A_15 = vector.broadcast %add3A_14 : f32 to vector<512xf32>
    %add3A_16 = arith.addf %add3A, %add3A_15 : vector<512xf32>
    %rsqrt3A = math.rsqrt %add3A_16 : vector<512xf32>
    %broadcast_in_dim3A = vector.shape_cast %rsqrt3A : vector<512xf32> to vector<512x1xf32>
    %mul3A = vector.broadcast %broadcast_in_dim3A : vector<512x1xf32> to vector<512x128xf32>
    %mul3A_17 = arith.mulf %dot_general3A_5, %mul3A : vector<512x128xf32>
    %swap3A = arith.constant 0 : index
    %swap3A_18 = arith.constant 0 : index
    %swap3A_19 = vector.load %arg5[%swap3A, %swap3A_18] : memref<512x128xf32, #tpu.memory_space<vmem>>, vector<512x128xf32>
    tpu.vector_store %arg5[%swap3A, %swap3A_18], %mul3A_17 {strides = array<i32>} : memref<512x128xf32, #tpu.memory_space<vmem>>, vector<512x128xf32>,
    return
  }
  func.func @transform_0(%arg0: i32, %arg1: i32) -> (i32, i32) {
    %c0_i32 = arith.constant 0 : i32
    %c0_i32_0 = arith.constant 0 : i32
    return %arg1, %c0_i32 : i32, i32
  }
  func.func @transform_1(%arg0: i32, %arg1: i32) -> (i32, i32) {
    %c0_i32 = arith.constant 0 : i32
    %c0_i32_0 = arith.constant 0 : i32
    return %c0_i32, %arg0 : i32, i32
  }
  func.func @transform_2(%arg0: i32, %arg1: i32) -> (i32, i32) {
    %c0_i32 = arith.constant 0 : i32
    %c0_i32_0 = arith.constant 0 : i32
    return %c0_i32, %arg1 : i32, i32
  }
  func.func @transform_3(%arg0: i32, %arg1: i32) -> (i32, i32) {
    %mul3A = arith.constant 20 : i32
    %mul3A_0 = arith.muli %arg0, %mul3A : i32
    %add3A = arith.addi %mul3A_0, %arg1 : i32
    %c0_i32 = arith.constant 0 : i32
    %c0_i32_1 = arith.constant 0 : i32
    return %add3A, %c0_i32 : i32, i32
  }
}

module attributes {stable_mosaic.version = 14 : i64} {
  func.func @_fin_body(%arg0: i32, %arg1: memref<512x128xf32, #tpu.memory_space<vmem>>, %arg2: memref<512x128xf32, #tpu.memory_space<vmem>>, %arg3: memref<512x128xf32, #tpu.memory_space<vmem>>, %arg4: memref<512x128xf32, #tpu.memory_space<vmem>>, %arg5: memref<2x512xf32, #tpu.memory_space<vmem>>, %arg6: memref<1x256xf32, #tpu.memory_space<vmem>>, %arg7: memref<512x256xf32, #tpu.memory_space<vmem>>) attributes {dimension_semantics = [#tpu.dimension_semantics<arbitrary>], iteration_bounds = array<i64: 20>, scalar_prefetch = 0 : i64, scratch_operands = 0 : i64, tpu.core_type = #tpu.core_type<tc>, window_params = [{transform_indices = @transform_0, window_bounds = array<i64: 512, 128>}, {transform_indices = @transform_1, window_bounds = array<i64: 512, 128>}, {transform_indices = @transform_2, window_bounds = array<i64: 512, 128>}, {transform_indices = @transform_3, window_bounds = array<i64: 512, 128>}, {transform_indices = @transform_4, window_bounds = array<i64: 2, 512>}, {pipeline_mode = #tpu.pipeline_mode<synchronous>, transform_indices = @transform_5, window_bounds = array<i64: 1, 256>}, {transform_indices = @transform_6, window_bounds = array<i64: 512, 256>}]} {
    %get3A = arith.constant 0 : index
    %get3A_0 = arith.constant 0 : index
    %get3A_1 = vector.load %arg5[%get3A, %get3A_0] : memref<2x512xf32, #tpu.memory_space<vmem>>, vector<1x512xf32>
    %get3A_2 = vector.shape_cast %get3A_1 : vector<1x512xf32> to vector<512xf32>
    %get3A_3 = arith.constant 1 : index
    %get3A_4 = arith.constant 0 : index
    %get3A_5 = vector.load %arg5[%get3A_3, %get3A_4] : memref<2x512xf32, #tpu.memory_space<vmem>>, vector<1x512xf32>
    %get3A_6 = vector.shape_cast %get3A_5 : vector<1x512xf32> to vector<512xf32>
    %add3A = arith.addf %get3A_2, %get3A_6 : vector<512xf32>
    %add3A_7 = arith.constant 1.000000e+00 : f32
    %add3A_8 = vector.broadcast %add3A_7 : f32 to vector<512xf32>
    %add3A_9 = arith.addf %add3A, %add3A_8 : vector<512xf32>
    %rsqrt3A = math.rsqrt %add3A_9 : vector<512xf32>
    %broadcast_in_dim3A = vector.shape_cast %rsqrt3A : vector<512xf32> to vector<512x1xf32>
    %get3A_10 = arith.constant 0 : index
    %get3A_11 = arith.constant 0 : index
    %get3A_12 = vector.load %arg6[%get3A_10, %get3A_11] : memref<1x256xf32, #tpu.memory_space<vmem>>, vector<1x256xf32>
    %get3A_13 = vector.shape_cast %get3A_12 : vector<1x256xf32> to vector<256xf32>
    %get3A_14 = arith.constant 0 : index
    %get3A_15 = arith.constant 0 : index
    %get3A_16 = vector.load %arg1[%get3A_14, %get3A_15] : memref<512x128xf32, #tpu.memory_space<vmem>>, vector<512x128xf32>
    %get3A_17 = arith.constant 0 : index
    %get3A_18 = arith.constant 0 : index
    %get3A_19 = vector.load %arg3[%get3A_17, %get3A_18] : memref<512x128xf32, #tpu.memory_space<vmem>>, vector<512x128xf32>
    %add3A_20 = arith.addf %get3A_16, %get3A_19 : vector<512x128xf32>
    %mul3A = vector.broadcast %broadcast_in_dim3A : vector<512x1xf32> to vector<512x128xf32>
    %mul3A_21 = arith.mulf %add3A_20, %mul3A : vector<512x128xf32>
    %slice3A = vector.extract_strided_slice %get3A_13 {offsets = [0], sizes = [128], strides = [1]} : vector<256xf32> to vector<128xf32>
    %broadcast_in_dim3A_22 = vector.shape_cast %slice3A : vector<128xf32> to vector<1x128xf32>
    %add3A_23 = vector.broadcast %broadcast_in_dim3A_22 : vector<1x128xf32> to vector<512x128xf32>
    %add3A_24 = arith.addf %mul3A_21, %add3A_23 : vector<512x128xf32>
    %get3A_25 = arith.constant 0 : index
    %get3A_26 = arith.constant 0 : index
    %get3A_27 = vector.load %arg2[%get3A_25, %get3A_26] : memref<512x128xf32, #tpu.memory_space<vmem>>, vector<512x128xf32>
    %get3A_28 = arith.constant 0 : index
    %get3A_29 = arith.constant 0 : index
    %get3A_30 = vector.load %arg4[%get3A_28, %get3A_29] : memref<512x128xf32, #tpu.memory_space<vmem>>, vector<512x128xf32>
    %add3A_31 = arith.addf %get3A_27, %get3A_30 : vector<512x128xf32>
    %mul3A_32 = vector.broadcast %broadcast_in_dim3A : vector<512x1xf32> to vector<512x128xf32>
    %mul3A_33 = arith.mulf %add3A_31, %mul3A_32 : vector<512x128xf32>
    %slice3A_34 = vector.extract_strided_slice %get3A_13 {offsets = [128], sizes = [128], strides = [1]} : vector<256xf32> to vector<128xf32>
    %broadcast_in_dim3A_35 = vector.shape_cast %slice3A_34 : vector<128xf32> to vector<1x128xf32>
    %add3A_36 = vector.broadcast %broadcast_in_dim3A_35 : vector<1x128xf32> to vector<512x128xf32>
    %add3A_37 = arith.addf %mul3A_33, %add3A_36 : vector<512x128xf32>
    %concatenate3A = tpu.concatenate %add3A_24, %add3A_37 in 1 : vector<512x128xf32>, vector<512x128xf32> -> vector<512x256xf32>
    %reduce_max3A = arith.constant dense<0xFF800000> : vector<512xf32>
    %reduce_max3A_38 = vector.multi_reduction <maximumf>, %concatenate3A, %reduce_max3A [1] : vector<512x256xf32> to vector<512xf32>
    %broadcast_in_dim3A_39 = vector.shape_cast %reduce_max3A_38 : vector<512xf32> to vector<512x1xf32>
    %sub3A = vector.broadcast %broadcast_in_dim3A_39 : vector<512x1xf32> to vector<512x256xf32>
    %sub3A_40 = arith.subf %concatenate3A, %sub3A : vector<512x256xf32>
    %exp3A = math.exp %sub3A_40 : vector<512x256xf32>
    %reduce_sum3A = arith.constant dense<0.000000e+00> : vector<512xf32>
    %reduce_sum3A_41 = vector.multi_reduction <add>, %exp3A, %reduce_sum3A [1] : vector<512x256xf32> to vector<512xf32>
    %broadcast_in_dim3A_42 = vector.shape_cast %reduce_sum3A_41 : vector<512xf32> to vector<512x1xf32>
    %log3A = math.log %broadcast_in_dim3A_42 : vector<512x1xf32>
    %add3A_43 = arith.addf %log3A, %broadcast_in_dim3A_39 : vector<512x1xf32>
    %sub3A_44 = vector.broadcast %add3A_43 : vector<512x1xf32> to vector<512x256xf32>
    %sub3A_45 = arith.subf %concatenate3A, %sub3A_44 : vector<512x256xf32>
    %swap3A = arith.constant 0 : index
    %swap3A_46 = arith.constant 0 : index
    %swap3A_47 = vector.load %arg7[%swap3A, %swap3A_46] : memref<512x256xf32, #tpu.memory_space<vmem>>, vector<512x256xf32>
    tpu.vector_store %arg7[%swap3A, %swap3A_46], %sub3A_45 {strides = array<i32>} : memref<512x256xf32, #tpu.memory_space<vmem>>, vector<512x256xf32>,
    return
  }
  func.func @transform_0(%arg0: i32) -> (i32, i32) {
    %c0_i32 = arith.constant 0 : i32
    %c0_i32_0 = arith.constant 0 : i32
    return %arg0, %c0_i32 : i32, i32
  }
  func.func @transform_1(%arg0: i32) -> (i32, i32) {
    %add3A = arith.constant 20 : i32
    %add3A_0 = arith.addi %add3A, %arg0 : i32
    %c0_i32 = arith.constant 0 : i32
    %c0_i32_1 = arith.constant 0 : i32
    return %add3A_0, %c0_i32 : i32, i32
  }
  func.func @transform_2(%arg0: i32) -> (i32, i32) {
    %c0_i32 = arith.constant 0 : i32
    %c0_i32_0 = arith.constant 0 : i32
    return %arg0, %c0_i32 : i32, i32
  }
  func.func @transform_3(%arg0: i32) -> (i32, i32) {
    %add3A = arith.constant 20 : i32
    %add3A_0 = arith.addi %add3A, %arg0 : i32
    %c0_i32 = arith.constant 0 : i32
    %c0_i32_1 = arith.constant 0 : i32
    return %add3A_0, %c0_i32 : i32, i32
  }
  func.func @transform_4(%arg0: i32) -> (i32, i32) {
    %c0_i32 = arith.constant 0 : i32
    %c0_i32_0 = arith.constant 0 : i32
    return %c0_i32, %arg0 : i32, i32
  }
  func.func @transform_5(%arg0: i32) -> (i32, i32) {
    %c0_i32 = arith.constant 0 : i32
    %c0_i32_0 = arith.constant 0 : i32
    %c0_i32_1 = arith.constant 0 : i32
    return %c0_i32, %c0_i32_0 : i32, i32
  }
  func.func @transform_6(%arg0: i32) -> (i32, i32) {
    %c0_i32 = arith.constant 0 : i32
    %c0_i32_0 = arith.constant 0 : i32
    return %arg0, %c0_i32 : i32, i32
  }
}

</mosaic_0001>

<sc_bundles>
// kernel: kernel.6.cloned.1.call-start
scs
__scs_entry_jumppad:
0x0: {  	(pc) =	sbr.rel $0x88, $3  }
0x1: {  	(tag) =	ssettag $0x0;
	lr =	simm.s32 $0x1  }
0x2: {  	[smem:$0x3F9D] =	sst lr;
	_ =	strace $0xD0000000  }
0x3: {  	_ = 	snop  }
0x4: {  	_ = 	snop  }
0x5: {  	_ = 	snop  }
0x6: {  	_ = 	snop  }
0x7: {  	_ = 	snop  }
__scs_overlays_trampoline_lowered:
0x8: {  	[smem:$0x3FAC] =	sst s0  }
0x9: {  	[smem:$0x3FAD] =	sst s1  }
0xa: {  	[smem:$0x3FAE] =	sst s2  }
0xb: {  	[smem:$0x3FAF] =	sst s3  }
0xc: {  	[smem:$0x3FB0] =	sst s4  }
0xd: {  	[smem:$0x3FB1] =	sst s5  }
0xe: {  	[smem:$0x3FB2] =	sst s6  }
0xf: {  	[smem:$0x3FB3] =	sst s7  }
0x10: {  	[smem:$0x3FB4] =	sst s8  }
0x11: {  	[smem:$0x3FB5] =	sst s9;
	s0 =	simm.s32 @!p0 $0x0  }
0x12: {  	s1 =	sld [smem:$0x3F9B];
	s0 =	simm.s32 @p0 $0x1  }
0x13: {  	[smem:$0x3FB6] =	sst s0;
	s0 =	simm.s32 @!p1 $0x0  }
0x14: {  	s2 =	sld [smem:$0x3F9A];
	s0 =	simm.s32 @p1 $0x1  }
0x15: {  	[smem:$0x3FB7] =	sst s0;
	s0 =	simm.s32 @!p2 $0x0  }
0x16: {  	s3 =	sld [smem:$0x3FDB];
	s0 =	simm.s32 @p2 $0x1  }
0x17: {  	s4 =	simm.s32 $0x1BF5;
	[smem:$0x3FB9] =	sst s0  }
0x18: {  	s0 =	sld [smem:$0x3F9C];
	_ =	swait.ge [sflag:s4], $0x0  }
0x19: {  	s7 =	sld [smem:$0x3F9D]  }
0x1a: {  	s8 =	sadd.s32 $0xFFFFE003, lr  }
0x1b: {  	s9 =	sadd.s32 $0xFFFFFEF7, lr;
	s5 =	simm.s32 $0xFFFFFFFF;
	p2 =	slt.u32 s8, $0xFFFFF086  }
0x1c: {  	p1 =	slt.u32 s9, $0xF7A;
	s5 =	simm.s32 @!p2 $0x0  }
0x1d: {  	s5 =	simm.s32 @p1 $0x1;
	p0 =	seq.s32 s7, s2  }
0x1e: {  	s7 =	smul.u32 @!p0 $0xF7A, s2;
	p2 =	seq.s32 @!p0 s5, $0x0  }
0x1f: {  	s9 =	smul.u32 $0xF7A, s1;
	s8 =	simm.s32 @!p0 $0x1BF5;
	p2 =	por !p2, p0  }
0x20: {  	[sflag:s8] =	ssyncset.s32 @!p0 $0xFFFFF086;
	s6 =	sadd.s32 @!p0 s3, s7;
	s7 =	simm.s32 @!p0 $0x108  }
0x21: {  	s3 =	sadd.s32 s3, s9;
	s6 =	sadd.s32 @!p0 $0x88, s6;
	s7 =	simm.s32 @p2 $0x1082  }
0x22: {  	[simem:s7], [sflag:s8] =	dma.local @!p0 [hbm:s6], $0xF7A  }
0x23: {  	s9 =	sor.u32 $0xD0000000, s2;
	s6 =	simm.s32 $0x108;
	_ =	swait.ge @!p0 [sflag:s8], $0x0  }
0x24: {  	s3 =	sadd.s32 $0x88, s3;
	s6 =	simm.s32 @!p1 $0x1082;
	[sflag:s4] =	ssyncset.s32 $0xFFFFF086  }
0x25: {  	[simem:s6], [sflag:s4] =	dma.local [hbm:s3], $0xF7A  }
0x26: {  	[smem:$0x3F9D] =	sst s1;
	(tag) =	ssettag s2;
	_ =	strace s9  }
0x27: {  	s1 =	sld [smem:$0x3FAD]  }
0x28: {  	s2 =	sld [smem:$0x3FAE]  }
0x29: {  	s4 =	sld [smem:$0x3FB0]  }
0x2a: {  	p0 =	seq.s32 s5, $0x0;
	s5 =	sld [smem:$0x3FB1]  }
0x2b: {  	s6 =	sld [smem:$0x3FB2]  }
0x2c: {  	s7 =	sld [smem:$0x3FB3]  }
0x2d: {  	s3 =	simm.s32 $0x108;
	s8 =	sld [smem:$0x3FB4]  }
0x2e: {  	s3 =	simm.s32 @!p0 $0x1082;
	s9 =	sld [smem:$0x3FB5]  }
0x2f: {  	lr =	sadd.s32 s0, s3;
	s0 =	sld [smem:$0x3FAC]  }
0x30: {  	s3 =	sld [smem:$0x3FAF]  }
0x31: {  	[smem:$0x3FB8] =	sst s10  }
0x32: {  	s10 =	sld [smem:$0x3FB6];
	_ =	sdelay $0x3  }
0x33: {  	p0 =	seq.s32 s10, $0x1;
	s10 =	sld [smem:$0x3FB8];
	_ =	sdelay $0x3  }
0x34: {  	[smem:$0x3FB8] =	sst s10  }
0x35: {  	s10 =	sld [smem:$0x3FB7];
	_ =	sdelay $0x3  }
0x36: {  	p1 =	seq.s32 s10, $0x1;
	s10 =	sld [smem:$0x3FB8];
	_ =	sdelay $0x3  }
0x37: {  	[smem:$0x3FB8] =	sst s10  }
0x38: {  	s10 =	sld [smem:$0x3FB9]  }
0x39: {  	_ = 	snop;
	(pc) =	sbr.ind lr, $3  }
0x3a: {  	_ = 	snop  }
0x3b: {  	_ = 	snop  }
0x3c: {  	p2 =	seq.s32 s10, $0x1;
	s10 =	sld [smem:$0x3FB8]  }
0x3d: {  	_ =	shalt  }
0x3e: {  	_ =	shalt  }
0x3f: {  	_ =	shalt  }
0x40: {  	_ =	shalt  }
0x41: {  	_ =	shalt  }
0x42: {  	_ =	shalt  }
0x43: {  	_ =	shalt  }
0x44: {  	_ =	shalt  }
0x45: {  	_ =	shalt  }
0x46: {  	_ =	shalt  }
0x47: {  	_ =	shalt  }
0x48: {  	_ =	shalt  }
0x49: {  	_ =	shalt  }
0x4a: {  	_ =	shalt  }
0x4b: {  	_ =	shalt  }
0x4c: {  	_ =	shalt  }
0x4d: {  	_ =	shalt  }
0x4e: {  	_ =	shalt  }
0x4f: {  	_ =	shalt  }
0x50: {  	_ =	shalt  }
0x51: {  	_ =	shalt  }
0x52: {  	_ =	shalt  }
0x53: {  	_ =	shalt  }
0x54: {  	_ =	shalt  }
0x55: {  	_ =	shalt  }
0x56: {  	_ =	shalt  }
0x57: {  	_ =	shalt  }
0x58: {  	_ =	shalt  }
0x59: {  	_ =	shalt  }
0x5a: {  	_ =	shalt  }
0x5b: {  	_ =	shalt  }
0x5c: {  	_ =	shalt  }
0x5d: {  	_ =	shalt  }
0x5e: {  	_ =	shalt  }
0x5f: {  	_ =	shalt  }
0x60: {  	_ =	shalt  }
0x61: {  	_ =	shalt  }
0x62: {  	_ =	shalt  }
0x63: {  	_ =	shalt  }
0x64: {  	_ =	shalt  }
0x65: {  	_ =	shalt  }
0x66: {  	_ =	shalt  }
0x67: {  	_ =	shalt  }
0x68: {  	_ =	shalt  }
0x69: {  	_ =	shalt  }
0x6a: {  	_ =	shalt  }
0x6b: {  	_ =	shalt  }
0x6c: {  	_ =	shalt  }
0x6d: {  	_ =	shalt  }
0x6e: {  	_ =	shalt  }
0x6f: {  	_ =	shalt  }
0x70: {  	_ =	shalt  }
0x71: {  	_ =	shalt  }
0x72: {  	_ =	shalt  }
0x73: {  	_ =	shalt  }
0x74: {  	_ =	shalt  }
0x75: {  	_ =	shalt  }
0x76: {  	_ =	shalt  }
0x77: {  	_ =	shalt  }
0x78: {  	_ =	shalt  }
0x79: {  	_ =	shalt  }
0x7a: {  	_ =	shalt  }
0x7b: {  	_ =	shalt  }
0x7c: {  	_ =	shalt  }
0x7d: {  	_ =	shalt  }
0x7e: {  	_ =	shalt  }
0x7f: {  	_ =	shalt  }
0x80: {  	_ =	shalt  }
0x81: {  	_ =	shalt  }
0x82: {  	_ =	shalt  }
0x83: {  	_ =	shalt  }
0x84: {  	_ =	shalt  }
0x85: {  	_ =	shalt  }
0x86: {  	_ =	shalt  }
0x87: {  	_ =	shalt  }
.Lfunc_end0:
.L_simem_size_0:
called_computation_lowered:
.L_overlay_start_0:
0x88: {  	s2 =	sld [smem:$0x3FD9]  }
0x89: {  	s3 =	sld [smem:$0x3FFE];
	_ =	sdelay $0x1  }
0x8a: {  	s1 =	srdreg.scid  }
0x8b: {  	s0 =	sand.u32 $0x1, s1  }
0x8c: {  	s16 =	sshll.u32 s0, $0xA;
	s2 =	sadd.s32 s3, s2  }
0x8d: {  	s2 =	sadd.s32 s2, s16  }
0x8e: {  	[smem:$0x3FC4] =	sst s2  }
0x8f: {  	_ = 	snop  }
0x90: {  	(tm) =	ssettm $0x1  }
0x91: {  	s17 =	sld [smem:$0x3FFB];
	_ =	sdelay $0x3  }
0x92: {  	_ =	strace s17  }
0x93: {  	s2 =	sld [smem:$0x3FFC];
	_ =	sdelay $0x3  }
0x94: {  	_ =	strace s2  }
0x95: {  	s2 =	sld [smem:$0x3FFD];
	_ =	sdelay $0x3  }
0x96: {  	_ =	strace s2  }
0x97: {  	_ =	strace $0x8FFFFFFF  }
0x98: {  	s18 =	sld [smem:$0x3FDB];
	_ =	sdelay $0x1  }
0x99: {  	s19 =	simm.s32 $_scs_section_size  }
0x9a: {  	s4 =	simm.s32 $_size__tile_overlayer_lowered;
	s5 =	simm.s32 $_tile_overlayer_lowered  }
0x9b: {  	s22 =	simm.s32 $0x1BFF;
	s21 =	sshll.u32 s5, $0x1;
	s2 =	sadd.s32 s19, s18  }
0x9c: {  	s6 =	simm.s32 $0x0;
	s20 =	sshll.u32 s4, $0x1;
	s4 =	sadd.s32 s21, s2  }
0x9d: {  	[timem:s6], [sflag:s22] =	dma.local [hbm:s4], s20  }
0x9e: {  	_ =	swait.ge [sflag:s22], s20  }
0x9f: {  	s3 =	ssub.s32 $0x0, s20;
	[sflag:s22] =	ssyncset.done $0x0  }
0xa0: {  	[sflag:s22] =	ssyncadd.s32 s3;
	_ =	sdelay $0x1  }
0xa1: {  	s23 =	simm.s32 $0x1B8B  }
0xa2: {  	_ =	swait.ge [sflag:s23], $0x1  }
0xa3: {  	[sflag:s23] =	ssyncset.done $0x0  }
0xa4: {  	s25 =	simm.s32 $0x1B8E;
	s24 =	sld [smem:$0x3FFE];
	[sflag:s23] =	ssyncadd.s32 $0xFFFFFFFF  }
0xa5: {  	s26 =	simm.s32 $execute0_lowered;
	[smem:$0x3FD2] =	sst s25  }
0xa6: {  	s4 =	sshll.u32 s26, $0x1;
	_ =	strace $0x80000046;
	[dreg:$0x1] =	wrdreg $0xFFFFFFFF  }
0xa7: {  	s28 =	simm.s32 $_size_execute0_lowered;
	s2 =	sadd.s32 s2, s4;
	[dreg:$0x0] =	wrdreg $0x0  }
0xa8: {  	s4 =	sshll.u32 s28, $0x1;
	[dreg:$0x2] =	wrdreg s2  }
0xa9: {  	[dreg:$0x3] =	wrdreg s4  }
0xaa: {  	[dreg:$0x4] =	wrdreg $0xC0  }
0xab: {  	_ =	task [dreg:s6], $0x5FFFF  }
0xac: {  	[dreg:$0x1] =	wrdreg $0xFFFFFFFF  }
0xad: {  	[dreg:$0x0] =	wrdreg $0x60  }
0xae: {  	[dreg:$0x2] =	wrdreg s24  }
0xaf: {  	[dreg:$0x3] =	wrdreg $0x17000  }
0xb0: {  	[dreg:$0x4] =	wrdreg $0x9  }
0xb1: {  	_ =	task.clear_ibuf [dreg:s6], $0x5FFFF;
	_ =	strace $0x90000046  }
0xb2: {  	s29 =	simm.s32 $0x9;
	_ =	strace $0x80000048  }
0xb3: {  	_ =	swait.ge [sflag:s29], $0x1  }
0xb4: {  	[sflag:s29] =	ssyncadd.s32 $0xFFFFFFFF  }
0xb5: {  	_ =	strace $0x90000048  }
0xb6: {  	_ =	sfence  }
0xb7: {  	s30 =	sld [smem:$0x0];
	_ =	sdelay $0x2  }
0xb8: {  	s31 =	sshll.u32 s1, $0xD;
	s1 =	sshrl.u32 s1, $0x2  }
0xb9: {  	s3 =	sand.u32 $0x4000, s31;
	s1 =	sadd.s32 s1, s30  }
0xba: {  	s0 =	sor.u32 s3, s0;
	s1 =	sshll.u32 s1, $0x11  }
0xbb: {  	s0 =	sor.u32 s1, s0  }
0xbc: {  	s0 =	sadd.s32 $0x8F2B, s0  }
0xbd: {  	[sflag:s0] =	ssyncadd.remote.s32 $0x1  }
0xbe: {  	_ =	sfence.sel $0xFFFF  }
0xbf: {  	[dreg:$0x0] =	wrdreg $0xFFFFFFFF;
	(pc) =	sbr.abs _section_cstart, $3  }
0xc0: {  	[dreg:$0x1] =	wrdreg $0xFFFFFFFF  }
0xc1: {  	_ =	task.clear_ibuf [dreg:s6], $0x2FFFF;
	_ =	strace $0x9FFFFFFF  }
0xc2: {  	(tm) =	ssettm $0x7FFFFFFF  }
0xc3: {  	_ =	shalt  }
tec
execute0_lowered:
.L_overlay_start_1:
0x0: {  	(tag) =	ssettag $0x1  }
0x1: {  	s4 =	rddreg [dreg:$0x0];
	s0 =	srdreg.scid  }
0x2: {  	s2 =	rddreg [dreg:$0x1];
	s1 =	stileid.u32  }
0x3: {  	s3 =	simm.s32 $0x0;
	s10 =	simm.s32 $0x80;
	s11 =	simm.s32 $0x1400  }
0x4: {  	s14 =	simm.s32 $0x20;
	s15 =	simm.s32 $0x10;
	s16 =	simm.s32 $0x0  }
0x5: {  	s5 =	sand.u32 $0x1, s0;
	s0 =	rddreg [dreg:$0x2];
	s7 =	smul.u32 $0x500, s1  }
0x6: {  	[smem:$0x7FF] =	sst s3;
	s30 =	smul.u32 $0xA00, s1;
	s12 =	sshll.u32 s1, $0x6  }
0x7: {  	s6 =	sshll.u32 s5, $0x4;
	s8 =	sshll.u32 s5, $0x7;
	_ =	strace $0x80000047  }
0x8: {  	s5 =	ssub.s32 $0x2, s5;
	s12 =	sor.u32 $0x1C01, s12;
	s6 =	sor.u32 s1, s6  }
0x9: {  	s7 =	sor.u32 s8, s7;
	s31 =	sshrl.u32 s5, $0x1;
	s6 =	smul.u32 $0x280, s6  }
0xa: {  	s8 =	sshrl.u32 s30, $0x2;
	s7 =	sshrl.u32 s7, $0x3;
	s9 =	ssub.s32 s5, s31  }
0xb: {  	s7 =	sadd.s32 s7, s4;
	s6 =	sadd.s32 s6, s4;
	s4 =	sadd.s32 s8, s2  }
0xc: {  	s8 =	simm.s32 $0x1480;
	s5 =	sadd.s32 $0x1600, s6;
	s6 =	sadd.s32 $0x6600, s7  }
0xd: {  	v0 =	vimm.f32 $1.000000000e+00;
	v1 =	vimm.f32 $0.0e+00;
	s7 =	smax.u32 s9, $0x1;
	s9 =	simm.s32 $0x1;
	s13 =	sshrl.u32 s4, $0x3  }
.LBB2_1:
0xe: {  	[tilespmem:$0x1400] =	vst v0  }
0xf: {  	[tilespmem:$0x1410] =	vst v0  }
0x10: {  	[tilespmem:$0x1420] =	vst v0  }
0x11: {  	[tilespmem:$0x1430] =	vst v0  }
0x12: {  	[tilespmem:$0x1440] =	vst v0  }
0x13: {  	[tilespmem:$0x1450] =	vst v0  }
0x14: {  	[tilespmem:$0x1460] =	vst v0  }
0x15: {  	[tilespmem:$0x1470] =	vst v0  }
0x16: {  	[tilespmem:$0x1480] =	vst v1  }
0x17: {  	[tilespmem:$0x1490] =	vst v1  }
0x18: {  	[tilespmem:$0x14A0] =	vst v1  }
0x19: {  	[tilespmem:$0x14B0] =	vst v1  }
0x1a: {  	[tilespmem:$0x14C0] =	vst v1  }
0x1b: {  	[tilespmem:$0x14D0] =	vst v1  }
0x1c: {  	[tilespmem:$0x14E0] =	vst v1  }
0x1d: {  	[tilespmem:$0x14F0] =	vst v1  }
0x1e: {  	[tilespmem:$0x1500] =	vst v1  }
0x1f: {  	[tilespmem:$0x1510] =	vst v1  }
0x20: {  	[tilespmem:$0x1520] =	vst v1  }
0x21: {  	[tilespmem:$0x1530] =	vst v1  }
0x22: {  	[tilespmem:$0x1540] =	vst v1  }
0x23: {  	[tilespmem:$0x1550] =	vst v1  }
0x24: {  	[tilespmem:$0x1560] =	vst v1  }
0x25: {  	[tilespmem:$0x1570] =	vst v1  }
0x26: {  	[tilespmem:$0x1580] =	vst v1  }
0x27: {  	[tilespmem:$0x1590] =	vst v1  }
0x28: {  	[tilespmem:$0x15A0] =	vst v1  }
0x29: {  	[tilespmem:$0x15B0] =	vst v1  }
0x2a: {  	[tilespmem:$0x15C0] =	vst v1  }
0x2b: {  	[tilespmem:$0x15D0] =	vst v1  }
0x2c: {  	[tilespmem:$0x15E0] =	vst v1  }
0x2d: {  	[tilespmem:$0x15F0] =	vst v1  }
0x2e: {  	[tilespmem:$0x1600] =	vst v1  }
0x2f: {  	[tilespmem:$0x1610] =	vst v1  }
0x30: {  	[tilespmem:$0x1620] =	vst v1  }
0x31: {  	[tilespmem:$0x1630] =	vst v1  }
0x32: {  	[tilespmem:$0x1640] =	vst v1  }
0x33: {  	[tilespmem:$0x1650] =	vst v1  }
0x34: {  	[tilespmem:$0x1660] =	vst v1  }
0x35: {  	[tilespmem:$0x1670] =	vst v1  }
0x36: {  	[tilespmem:$0x1680] =	vst v1  }
0x37: {  	[tilespmem:$0x1690] =	vst v1  }
0x38: {  	[tilespmem:$0x16A0] =	vst v1  }
0x39: {  	[tilespmem:$0x16B0] =	vst v1  }
0x3a: {  	[tilespmem:$0x16C0] =	vst v1  }
0x3b: {  	[tilespmem:$0x16D0] =	vst v1  }
0x3c: {  	[tilespmem:$0x16E0] =	vst v1  }
0x3d: {  	[tilespmem:$0x16F0] =	vst v1  }
0x3e: {  	[spmem:s4] =	stream.linear.scatter [tilespmem:s8], [sflag:$0x1], $0x280, $0x38;
	[tilespmem:$0x1988] =	vst v63  }
0x3f: {  	_ =	swait.ge [sflag:s9], $0x280  }
0x40: {  	[sflag:s9] =	ssyncset.done $0x0  }
0x41: {  	[sflag:s9] =	ssyncadd.s32 $0xFFFFFD80  }
0x42: {  	[tilespmem:s3], [sflag:$0x1] =	stream.linear.gather [hbm4b:s5+s3], $0x1400, $0x38;
	[tilespmem:$0x1988] =	vst v63  }
0x43: {  	_ =	swait.ge [sflag:s9], $0x1400  }
0x44: {  	[sflag:s9] =	ssyncset.done $0x0  }
0x45: {  	[sflag:s9] =	ssyncadd.s32 $0xFFFFEC00  }
0x46: {  	s17 =	simm.s32 $0x0;
	[bflag:$0x0] =	sbarrier.arrive $0xFFFF  }
0x47: {  	[spmem:s2] =	stream.indirect.scatter.add.f32 [tilespmem:s11], [sflag:$0x1], $0x1, s17, s10, $0xb8;
	[tilespmem:$0x1988] =	vst v63  }
0x48: {  	_ =	swait.ge [sflag:s9], $0x80  }
0x49: {  	s17 =	simm.s32 $0x200;
	[sflag:s9] =	ssyncset.done $0x0  }
.LBB2_2:
0x4a: {  	s18 =	sshra.s32 s17, $0x2;
	[sflag:s9] =	ssyncadd.s32 $0xFFFFFF80;
	p0 =	sne.s32 s17, $0x4E00  }
0x4b: {  	[spmem:s2] =	stream.indirect.scatter.add.f32 [tilespmem:s11], [sflag:$0x1], $0x1, s18, s10, $0xb8;
	[tilespmem:$0x1988] =	vst v63  }
.Ltmp0:
0x4c: {  	_ = 	snop;
	(pc) =	sbr.rel @p0 .LBB2_2-.Ltmp0, $4  }
0x4d: {  	_ = 	snop  }
0x4e: {  	s17 =	sadd.s32 $0x200, s17  }
0x4f: {  	_ =	swait.ge [sflag:s9], $0x80  }
0x50: {  	[sflag:s9] =	ssyncset.done $0x0  }
0x51: {  	s16 =	sadd.s32 $0x1, s16  }
0x52: {  	[sflag:s9] =	ssyncadd.s32 $0xFFFFFF80;
	p0 =	sne.s32 s16, s7  }
.Ltmp1:
0x53: {  	[bflag:$0x0] =	sbarrier.arrive $0xFFFF;
	(pc) =	sbr.rel @p0 .LBB2_1-.Ltmp1, $4  }
0x54: {  	[hbm:s6@s14], [sflag:s12] =	dma.strided [spmem:s13@s15], $0x50, s9, $0x10   }
0x55: {  	_ =	swait.ge [sflag:s9], $0x50  }
0x56: {  	[sflag:s9] =	ssyncset.done $0x0  }
0x57: {  	[sflag:s9] =	ssyncadd.s32 $0xFFFFFFB0  }
0x58: {  	_ =	sfence.sel $0x180000  }
0x59: {  	[bflag:$0x0] =	sbarrier.arrive $0xFFFF  }
0x5a: {  	p0 =	sne.s32 s1, $0x0;
	_ =	strace $0x90000047  }
0x5b: {  	s0 =	sadd.s32 @!p0 $0x100000, s0;
	[bflag:$0x2] =	sbarrier.arrive $0xFFFF  }
0x5c: {  	[sflag:s0] =	ssyncadd.tile.s32 @!p0 $0x1;
	_ =	shalt  }
.Lfunc_end2:
_tile_overlayer_lowered:
.L_overlay_start_2:
0x5d: {  	(tag) =	ssettag $0x2  }
0x5e: {  	s0 =	rddreg [dreg:$0x0];
	s2 =	stileid.u32  }
0x5f: {  	s1 =	rddreg [dreg:$0x1];
	p0 =	sne.s32 s2, $0x0  }
0x60: {  	s3 =	rddreg [dreg:$0x2];
	[bflag:$0x3] =	sbarrier.arrive $0xFFFF;
	s2 =	simm.s32 @!p0 $0x1C01  }
0x61: {  	[timem:s3], [sflag:s2] =	dma.local @!p0 [hbm:s0], s1  }
0x62: {  	s0 =	simm.s32 @!p0 $0x1  }
0x63: {  	_ =	swait.ge @!p0 [sflag:s0], s1  }
0x64: {  	s1 =	ssub.s32 @!p0 $0x0, s1;
	[sflag:s0] =	ssyncset.done @!p0 $0x0  }
0x65: {  	[sflag:s0] =	ssyncadd.s32 @!p0 s1  }
0x66: {  	[bflag:$0x3] =	sbarrier.arrive $0xFFFF  }
0x67: {  	_ =	shalt  }

// kernel: kernel.9.cloned.1.call-start
scs
__scs_entry_jumppad:
0x0: {  	(pc) =	sbr.rel $0x88, $3  }
0x1: {  	(tag) =	ssettag $0x0;
	lr =	simm.s32 $0x1  }
0x2: {  	[smem:$0x3F9D] =	sst lr;
	_ =	strace $0xD0000000  }
0x3: {  	_ = 	snop  }
0x4: {  	_ = 	snop  }
0x5: {  	_ = 	snop  }
0x6: {  	_ = 	snop  }
0x7: {  	_ = 	snop  }
__scs_overlays_trampoline_lowered:
0x8: {  	[smem:$0x3FAC] =	sst s0  }
0x9: {  	[smem:$0x3FAD] =	sst s1  }
0xa: {  	[smem:$0x3FAE] =	sst s2  }
0xb: {  	[smem:$0x3FAF] =	sst s3  }
0xc: {  	[smem:$0x3FB0] =	sst s4  }
0xd: {  	[smem:$0x3FB1] =	sst s5  }
0xe: {  	[smem:$0x3FB2] =	sst s6  }
0xf: {  	[smem:$0x3FB3] =	sst s7  }
0x10: {  	[smem:$0x3FB4] =	sst s8  }
0x11: {  	[smem:$0x3FB5] =	sst s9;
	s0 =	simm.s32 @!p0 $0x0  }
0x12: {  	s1 =	sld [smem:$0x3F9B];
	s0 =	simm.s32 @p0 $0x1  }
0x13: {  	[smem:$0x3FB6] =	sst s0;
	s0 =	simm.s32 @!p1 $0x0  }
0x14: {  	s2 =	sld [smem:$0x3F9A];
	s0 =	simm.s32 @p1 $0x1  }
0x15: {  	[smem:$0x3FB7] =	sst s0;
	s0 =	simm.s32 @!p2 $0x0  }
0x16: {  	s3 =	sld [smem:$0x3FDB];
	s0 =	simm.s32 @p2 $0x1  }
0x17: {  	s4 =	simm.s32 $0x1BF5;
	[smem:$0x3FB9] =	sst s0  }
0x18: {  	s0 =	sld [smem:$0x3F9C];
	_ =	swait.ge [sflag:s4], $0x0  }
0x19: {  	s7 =	sld [smem:$0x3F9D]  }
0x1a: {  	s8 =	sadd.s32 $0xFFFFE003, lr  }
0x1b: {  	s9 =	sadd.s32 $0xFFFFFEF7, lr;
	s5 =	simm.s32 $0xFFFFFFFF;
	p2 =	slt.u32 s8, $0xFFFFF086  }
0x1c: {  	p1 =	slt.u32 s9, $0xF7A;
	s5 =	simm.s32 @!p2 $0x0  }
0x1d: {  	s5 =	simm.s32 @p1 $0x1;
	p0 =	seq.s32 s7, s2  }
0x1e: {  	s7 =	smul.u32 @!p0 $0xF7A, s2;
	p2 =	seq.s32 @!p0 s5, $0x0  }
0x1f: {  	s9 =	smul.u32 $0xF7A, s1;
	s8 =	simm.s32 @!p0 $0x1BF5;
	p2 =	por !p2, p0  }
0x20: {  	[sflag:s8] =	ssyncset.s32 @!p0 $0xFFFFF086;
	s6 =	sadd.s32 @!p0 s3, s7;
	s7 =	simm.s32 @!p0 $0x108  }
0x21: {  	s3 =	sadd.s32 s3, s9;
	s6 =	sadd.s32 @!p0 $0x88, s6;
	s7 =	simm.s32 @p2 $0x1082  }
0x22: {  	[simem:s7], [sflag:s8] =	dma.local @!p0 [hbm:s6], $0xF7A  }
0x23: {  	s9 =	sor.u32 $0xD0000000, s2;
	s6 =	simm.s32 $0x108;
	_ =	swait.ge @!p0 [sflag:s8], $0x0  }
0x24: {  	s3 =	sadd.s32 $0x88, s3;
	s6 =	simm.s32 @!p1 $0x1082;
	[sflag:s4] =	ssyncset.s32 $0xFFFFF086  }
0x25: {  	[simem:s6], [sflag:s4] =	dma.local [hbm:s3], $0xF7A  }
0x26: {  	[smem:$0x3F9D] =	sst s1;
	(tag) =	ssettag s2;
	_ =	strace s9  }
0x27: {  	s1 =	sld [smem:$0x3FAD]  }
0x28: {  	s2 =	sld [smem:$0x3FAE]  }
0x29: {  	s4 =	sld [smem:$0x3FB0]  }
0x2a: {  	p0 =	seq.s32 s5, $0x0;
	s5 =	sld [smem:$0x3FB1]  }
0x2b: {  	s6 =	sld [smem:$0x3FB2]  }
0x2c: {  	s7 =	sld [smem:$0x3FB3]  }
0x2d: {  	s3 =	simm.s32 $0x108;
	s8 =	sld [smem:$0x3FB4]  }
0x2e: {  	s3 =	simm.s32 @!p0 $0x1082;
	s9 =	sld [smem:$0x3FB5]  }
0x2f: {  	lr =	sadd.s32 s0, s3;
	s0 =	sld [smem:$0x3FAC]  }
0x30: {  	s3 =	sld [smem:$0x3FAF]  }
0x31: {  	[smem:$0x3FB8] =	sst s10  }
0x32: {  	s10 =	sld [smem:$0x3FB6];
	_ =	sdelay $0x3  }
0x33: {  	p0 =	seq.s32 s10, $0x1;
	s10 =	sld [smem:$0x3FB8];
	_ =	sdelay $0x3  }
0x34: {  	[smem:$0x3FB8] =	sst s10  }
0x35: {  	s10 =	sld [smem:$0x3FB7];
	_ =	sdelay $0x3  }
0x36: {  	p1 =	seq.s32 s10, $0x1;
	s10 =	sld [smem:$0x3FB8];
	_ =	sdelay $0x3  }
0x37: {  	[smem:$0x3FB8] =	sst s10  }
0x38: {  	s10 =	sld [smem:$0x3FB9]  }
0x39: {  	_ = 	snop;
	(pc) =	sbr.ind lr, $3  }
0x3a: {  	_ = 	snop  }
0x3b: {  	_ = 	snop  }
0x3c: {  	p2 =	seq.s32 s10, $0x1;
	s10 =	sld [smem:$0x3FB8]  }
0x3d: {  	_ =	shalt  }
0x3e: {  	_ =	shalt  }
0x3f: {  	_ =	shalt  }
0x40: {  	_ =	shalt  }
0x41: {  	_ =	shalt  }
0x42: {  	_ =	shalt  }
0x43: {  	_ =	shalt  }
0x44: {  	_ =	shalt  }
0x45: {  	_ =	shalt  }
0x46: {  	_ =	shalt  }
0x47: {  	_ =	shalt  }
0x48: {  	_ =	shalt  }
0x49: {  	_ =	shalt  }
0x4a: {  	_ =	shalt  }
0x4b: {  	_ =	shalt  }
0x4c: {  	_ =	shalt  }
0x4d: {  	_ =	shalt  }
0x4e: {  	_ =	shalt  }
0x4f: {  	_ =	shalt  }
0x50: {  	_ =	shalt  }
0x51: {  	_ =	shalt  }
0x52: {  	_ =	shalt  }
0x53: {  	_ =	shalt  }
0x54: {  	_ =	shalt  }
0x55: {  	_ =	shalt  }
0x56: {  	_ =	shalt  }
0x57: {  	_ =	shalt  }
0x58: {  	_ =	shalt  }
0x59: {  	_ =	shalt  }
0x5a: {  	_ =	shalt  }
0x5b: {  	_ =	shalt  }
0x5c: {  	_ =	shalt  }
0x5d: {  	_ =	shalt  }
0x5e: {  	_ =	shalt  }
0x5f: {  	_ =	shalt  }
0x60: {  	_ =	shalt  }
0x61: {  	_ =	shalt  }
0x62: {  	_ =	shalt  }
0x63: {  	_ =	shalt  }
0x64: {  	_ =	shalt  }
0x65: {  	_ =	shalt  }
0x66: {  	_ =	shalt  }
0x67: {  	_ =	shalt  }
0x68: {  	_ =	shalt  }
0x69: {  	_ =	shalt  }
0x6a: {  	_ =	shalt  }
0x6b: {  	_ =	shalt  }
0x6c: {  	_ =	shalt  }
0x6d: {  	_ =	shalt  }
0x6e: {  	_ =	shalt  }
0x6f: {  	_ =	shalt  }
0x70: {  	_ =	shalt  }
0x71: {  	_ =	shalt  }
0x72: {  	_ =	shalt  }
0x73: {  	_ =	shalt  }
0x74: {  	_ =	shalt  }
0x75: {  	_ =	shalt  }
0x76: {  	_ =	shalt  }
0x77: {  	_ =	shalt  }
0x78: {  	_ =	shalt  }
0x79: {  	_ =	shalt  }
0x7a: {  	_ =	shalt  }
0x7b: {  	_ =	shalt  }
0x7c: {  	_ =	shalt  }
0x7d: {  	_ =	shalt  }
0x7e: {  	_ =	shalt  }
0x7f: {  	_ =	shalt  }
0x80: {  	_ =	shalt  }
0x81: {  	_ =	shalt  }
0x82: {  	_ =	shalt  }
0x83: {  	_ =	shalt  }
0x84: {  	_ =	shalt  }
0x85: {  	_ =	shalt  }
0x86: {  	_ =	shalt  }
0x87: {  	_ =	shalt  }
.Lfunc_end0:
.L_simem_size_0:
called_computation.1_lowered:
.L_overlay_start_0:
0x88: {  	s2 =	sld [smem:$0x3FD9]  }
0x89: {  	s3 =	sld [smem:$0x3FFE];
	_ =	sdelay $0x1  }
0x8a: {  	s1 =	srdreg.scid  }
0x8b: {  	s0 =	sand.u32 $0x1, s1  }
0x8c: {  	s17 =	sshll.u32 s0, $0xA;
	s2 =	sadd.s32 s3, s2  }
0x8d: {  	s2 =	sadd.s32 s2, s17  }
0x8e: {  	[smem:$0x3FC4] =	sst s2  }
0x8f: {  	_ = 	snop  }
0x90: {  	s2 =	sld [smem:$0x3FD0];
	(tm) =	ssettm $0x1  }
0x91: {  	s18 =	sld [smem:$0x3FFB];
	_ =	sdelay $0x3  }
0x92: {  	_ =	strace s18  }
0x93: {  	s3 =	sld [smem:$0x3FFC];
	_ =	sdelay $0x3  }
0x94: {  	_ =	strace s3  }
0x95: {  	s3 =	sld [smem:$0x3FFD];
	_ =	sdelay $0x3  }
0x96: {  	_ =	strace s3  }
0x97: {  	_ =	strace $0x8FFFFFFF  }
0x98: {  	s19 =	sld [smem:$0x3FDB];
	_ =	sdelay $0x1  }
0x99: {  	s4 =	simm.s32 $_scs_section_size  }
0x9a: {  	s5 =	simm.s32 $_size__tile_overlayer_lowered;
	s6 =	simm.s32 $_tile_overlayer_lowered  }
0x9b: {  	s22 =	simm.s32 $0x1BFF;
	s21 =	sshll.u32 s6, $0x1;
	s3 =	sadd.s32 s4, s19  }
0x9c: {  	s7 =	simm.s32 $0x0;
	s20 =	sshll.u32 s5, $0x1;
	s5 =	sadd.s32 s21, s3  }
0x9d: {  	[timem:s7], [sflag:s22] =	dma.local [hbm:s5], s20  }
0x9e: {  	_ =	swait.ge [sflag:s22], s20  }
0x9f: {  	s4 =	ssub.s32 $0x0, s20;
	[sflag:s22] =	ssyncset.done $0x0  }
0xa0: {  	[sflag:s22] =	ssyncadd.s32 s4;
	_ =	sdelay $0x1  }
0xa1: {  	s23 =	simm.s32 $0x1B8B  }
0xa2: {  	_ =	swait.ge [sflag:s23], $0x1  }
0xa3: {  	[sflag:s23] =	ssyncset.done $0x0  }
0xa4: {  	s25 =	simm.s32 $0x1B8E;
	s24 =	sld [smem:$0x3FFE];
	[sflag:s23] =	ssyncadd.s32 $0xFFFFFFFF  }
0xa5: {  	s26 =	simm.s32 $execute0_lowered;
	[smem:$0x3FD2] =	sst s25  }
0xa6: {  	s5 =	sshll.u32 s26, $0x1;
	_ =	strace $0x80000049;
	[dreg:$0x1] =	wrdreg $0xFFFFFFFF  }
0xa7: {  	s28 =	simm.s32 $_size_execute0_lowered;
	s3 =	sadd.s32 s3, s5;
	[dreg:$0x0] =	wrdreg $0x0  }
0xa8: {  	s5 =	sshll.u32 s28, $0x1;
	[dreg:$0x2] =	wrdreg s3  }
0xa9: {  	[dreg:$0x3] =	wrdreg s5  }
0xaa: {  	[dreg:$0x4] =	wrdreg $0xC0  }
0xab: {  	_ =	task [dreg:s7], $0x5FFFF  }
0xac: {  	[dreg:$0x1] =	wrdreg $0xFFFFFFFF  }
0xad: {  	[dreg:$0x0] =	wrdreg $0x60  }
0xae: {  	[dreg:$0x2] =	wrdreg s2  }
0xaf: {  	[dreg:$0x3] =	wrdreg s24  }
0xb0: {  	[dreg:$0x4] =	wrdreg $0xAA000  }
0xb1: {  	[dreg:$0x5] =	wrdreg $0x9  }
0xb2: {  	_ =	task.clear_ibuf [dreg:s7], $0x6FFFF;
	_ =	strace $0x90000049  }
0xb3: {  	s29 =	simm.s32 $0x9;
	_ =	strace $0x8000004B  }
0xb4: {  	_ =	swait.ge [sflag:s29], $0x1  }
0xb5: {  	[sflag:s29] =	ssyncadd.s32 $0xFFFFFFFF  }
0xb6: {  	_ =	strace $0x9000004B  }
0xb7: {  	_ =	sfence  }
0xb8: {  	s30 =	sld [smem:$0x0];
	_ =	sdelay $0x2  }
0xb9: {  	s31 =	sshll.u32 s1, $0xD;
	s1 =	sshrl.u32 s1, $0x2  }
0xba: {  	s3 =	sand.u32 $0x4000, s31;
	s1 =	sadd.s32 s1, s30  }
0xbb: {  	s0 =	sor.u32 s3, s0;
	s1 =	sshll.u32 s1, $0x11  }
0xbc: {  	s0 =	sor.u32 s1, s0  }
0xbd: {  	s0 =	sadd.s32 $0x8F2B, s0  }
0xbe: {  	[sflag:s0] =	ssyncadd.remote.s32 $0x1  }
0xbf: {  	_ =	sfence.sel $0xFFFF  }
0xc0: {  	[dreg:$0x0] =	wrdreg $0xFFFFFFFF;
	(pc) =	sbr.abs _section_cstart, $3  }
0xc1: {  	[dreg:$0x1] =	wrdreg $0xFFFFFFFF  }
0xc2: {  	_ =	task.clear_ibuf [dreg:s7], $0x2FFFF;
	_ =	strace $0x9FFFFFFF  }
0xc3: {  	(tm) =	ssettm $0x7FFFFFFF  }
tec
execute0_lowered:
.L_overlay_start_1:
0x0: {  	(tag) =	ssettag $0x1  }
0x1: {  	s0 =	rddreg [dreg:$0x0]  }
0x2: {  	s1 =	rddreg [dreg:$0x1]  }
0x3: {  	s2 =	rddreg [dreg:$0x2]  }
0x4: {  	s4 =	srdreg.scid;
	s12 =	stileid.u32;
	s3 =	simm.s32 $0x0  }
0x5: {  	s28 =	simm.s32 $0x1;
	s29 =	simm.s32 $0x5;
	s6 =	smul.u32 $0x2800, s12  }
0x6: {  	s30 =	simm.s32 $0x3;
	s31 =	simm.s32 $0x2;
	s16 =	smul.u32 $0x50000, s12  }
0x7: {  	s7 =	sand.u32 $0x1, s4;
	[smem:$0x7FF] =	sst s3;
	s24 =	smul.u32 $0x500, s12  }
0x8: {  	s4 =	sadd.s32 $0x56600, s1;
	s5 =	sadd.s32 $0x6600, s1;
	s8 =	smul.u32 $0x28000, s7  }
0x9: {  	_ =	strace $0x8000004A;
	s17 =	ssub.s32 $0x2, s7;
	s9 =	sshll.u32 s7, $0x4  }
0xa: {  	s7 =	smul.u32 $0x5000, s7;
	s10 =	sshrl.u32 s17, $0x1;
	s9 =	sor.u32 s12, s9  }
0xb: {  	s6 =	sadd.s32 s6, s8;
	s8 =	sshrl.u32 s16, $0x2;
	s17 =	ssub.s32 s17, s10  }
0xc: {  	s18 =	smul.u32 $0x500, s9;
	s1 =	sadd.s32 s6, s1;
	s6 =	sadd.s32 s8, s2  }
0xd: {  	s17 =	smax.u32 s17, $0x1;
	s19 =	sadd.s32 $0x4000, s6;
	s20 =	sadd.s32 $0x8000, s6  }
0xe: {  	s21 =	sadd.s32 $0xC000, s6;
	s22 =	sadd.s32 $0x10000, s6;
	[dreg:$0x4] =	wrdreg s19  }
0xf: {  	s11 =	sadd.s32 s4, s18;
	s0 =	sadd.s32 s0, s18;
	[dreg:$0x5] =	wrdreg s20  }
0x10: {  	s1 =	sadd.s32 $0x60600, s1;
	s18 =	sadd.s32 s24, s7;
	[dreg:$0x6] =	wrdreg s21  }
0x11: {  	s24 =	simm.s32 $0x2980;
	s7 =	simm.s32 $0x0;
	[dreg:$0x7] =	wrdreg s22  }
0x12: {  	[dreg:$0x8] =	wrdreg s0;
	s23 =	sadd.s32 $0x10, s11;
	s25 =	sadd.s32 $0x20, s11  }
.Ltmp0:
0x13: {  	s26 =	sadd.s32 $0x30, s11;
	[dreg:$0xc] =	wrdreg s1;
	(pc) =	sbr.rel .LBB2_1-.Ltmp0, $4  }
0x14: {  	s19 =	simm.s32 $0x2A00;
	s20 =	simm.s32 $0x9;
	[dreg:$0x9] =	wrdreg s23  }
0x15: {  	s21 =	simm.s32 $0x2800;
	s22 =	simm.s32 $0x2880;
	[dreg:$0xa] =	wrdreg s25  }
0x16: {  	s0 =	simm.s32 $0x6;
	s1 =	simm.s32 $0x4;
	[dreg:$0xb] =	wrdreg s26  }
0x17: {  	v0 =	vimm.f32 $0.0e+00;
	s25 =	simm.s32 $0x80;
	s26 =	simm.s32 $0x6A00;
	s23 =	simm.s32 $0x8  }
.LBB2_6:
0x18: {  	_ =	swait.ge [sflag:s30], $0x4000  }
0x19: {  	[sflag:s30] =	ssyncset.done $0x0  }
0x1a: {  	[sflag:s30] =	ssyncadd.s32 $0xFFFFC000  }
0x1b: {  	_ =	swait.ge [sflag:s1], $0x4000  }
0x1c: {  	s8 =	stileid.u32;
	[sflag:s1] =	ssyncset.done $0x0  }
0x1d: {  	s9 =	sshrl.u32 s6, $0x3;
	s7 =	sadd.s32 $0x1, s7;
	[sflag:s1] =	ssyncadd.s32 $0xFFFFC000  }
0x1e: {  	s8 =	sshll.u32 s8, $0x6;
	p0 =	sne.s32 s7, s17;
	[bflag:$0x0] =	sbarrier.arrive $0xFFFF  }
.Ltmp1:
0x1f: {  	s8 =	sor.u32 $0x1C09, s8;
	s10 =	rddreg [dreg:$0xc];
	(pc) =	sbr.rel @!p0 .LBB2_7-.Ltmp1, $4  }
0x20: {  	[hbm:s10], [sflag:s8] =	dma.local [spmem:s9], $0x2800  }
0x21: {  	_ =	swait.ge [sflag:s20], $0x2800  }
0x22: {  	[sflag:s20] =	ssyncset.done $0x0  }
0x23: {  	[sflag:s20] =	ssyncadd.s32 $0xFFFFD800  }
.LBB2_1:
0x24: {  	s8 =	simm.s32 $0x0;
	s9 =	simm.s32 $0x200  }
.LBB2_2:
0x25: {  	p0 =	sne.s32 s9, $0xFE00;
	[tilespmem:s8+$0x2A70] =	vst v0  }
0x26: {  	[tilespmem:s8+$0x2A00] =	vst v0  }
0x27: {  	[tilespmem:s8+$0x2A10] =	vst v0  }
.Ltmp2:
0x28: {  	[tilespmem:s8+$0x2A20] =	vst v0;
	(pc) =	sbr.rel @p0 .LBB2_2-.Ltmp2, $4  }
0x29: {  	[tilespmem:s8+$0x2A30] =	vst v0  }
0x2a: {  	[tilespmem:s8+$0x2A40] =	vst v0  }
0x2b: {  	[tilespmem:s8+$0x2A50] =	vst v0  }
0x2c: {  	[tilespmem:s8+$0x2A60] =	vst v0;
	s8 =	sshra.s32 s9, $0x2;
	s9 =	sadd.s32 $0x200, s9  }
0x2d: {  	[tilespmem:s8+$0x2A70] =	vst v0  }
0x2e: {  	[tilespmem:s8+$0x2A00] =	vst v0  }
0x2f: {  	[tilespmem:s8+$0x2A10] =	vst v0  }
0x30: {  	[tilespmem:s8+$0x2A20] =	vst v0  }
0x31: {  	[tilespmem:s8+$0x2A30] =	vst v0  }
0x32: {  	[tilespmem:s8+$0x2A40] =	vst v0  }
0x33: {  	[tilespmem:s8+$0x2A50] =	vst v0  }
0x34: {  	[tilespmem:s8+$0x2A60] =	vst v0  }
0x35: {  	[spmem:s6] =	stream.linear.scatter [tilespmem:s19], [sflag:$0x9], $0x4000, $0x38;
	[tilespmem:$0x1EA40] =	vst v63  }
0x36: {  	_ =	swait.ge [sflag:s20], $0x4000  }
0x37: {  	[sflag:s20] =	ssyncset.done $0x0  }
0x38: {  	s16 =	rddreg [dreg:$0x4];
	[sflag:s20] =	ssyncadd.s32 $0xFFFFC000  }
0x39: {  	[spmem:s16] =	stream.linear.scatter [tilespmem:s19], [sflag:$0x9], $0x4000, $0x38;
	[tilespmem:$0x1EA40] =	vst v63  }
0x3a: {  	_ =	swait.ge [sflag:s20], $0x4000  }
0x3b: {  	[sflag:s20] =	ssyncset.done $0x0  }
0x3c: {  	s9 =	rddreg [dreg:$0x5];
	[sflag:s20] =	ssyncadd.s32 $0xFFFFC000  }
0x3d: {  	[spmem:s9] =	stream.linear.scatter [tilespmem:s19], [sflag:$0x9], $0x4000, $0x38;
	[tilespmem:$0x1EA40] =	vst v63  }
0x3e: {  	_ =	swait.ge [sflag:s20], $0x4000  }
0x3f: {  	[sflag:s20] =	ssyncset.done $0x0  }
0x40: {  	s10 =	rddreg [dreg:$0x6];
	[sflag:s20] =	ssyncadd.s32 $0xFFFFC000  }
0x41: {  	[spmem:s10] =	stream.linear.scatter [tilespmem:s19], [sflag:$0x9], $0x4000, $0x38;
	[tilespmem:$0x1EA40] =	vst v63  }
0x42: {  	_ =	swait.ge [sflag:s20], $0x4000  }
0x43: {  	[sflag:s20] =	ssyncset.done $0x0  }
0x44: {  	s12 =	rddreg [dreg:$0x7];
	[sflag:s20] =	ssyncadd.s32 $0xFFFFC000  }
0x45: {  	[spmem:s12] =	stream.linear.scatter [tilespmem:s19], [sflag:$0x9], $0x4000, $0x38;
	[tilespmem:$0x1EA40] =	vst v63  }
0x46: {  	_ =	swait.ge [sflag:s20], $0x4000  }
0x47: {  	[sflag:s20] =	ssyncset.done $0x0  }
0x48: {  	s13 =	rddreg [dreg:$0x8];
	[sflag:s20] =	ssyncadd.s32 $0xFFFFC000  }
0x49: {  	[tilespmem:s3], [sflag:$0x9] =	stream.linear.gather [hbm4b:s13+s3], $0x2800, $0x38;
	[tilespmem:$0x1EA40] =	vst v63  }
0x4a: {  	_ =	swait.ge [sflag:s20], $0x2800  }
0x4b: {  	[sflag:s20] =	ssyncset.done $0x0  }
0x4c: {  	[sflag:s20] =	ssyncadd.s32 $0xFFFFD800  }
0x4d: {  	[bflag:$0x0] =	sbarrier.arrive $0xFFFF  }
0x4e: {  	[tilespmem:s21], [sflag:$0x5] =	stream.linear.gather [hbm4b:s11+s3], $0x80, $0x38;
	[tilespmem:$0x1EA40] =	vst v63  }
0x4f: {  	s14 =	rddreg [dreg:$0x9]  }
0x50: {  	[tilespmem:s22], [sflag:$0x6] =	stream.linear.gather [hbm4b:s14+s3], $0x80, $0x38;
	[tilespmem:$0x1EA40] =	vst v63  }
0x51: {  	s9 =	simm.s32 $0x2900;
	s15 =	rddreg [dreg:$0xa]  }
0x52: {  	[tilespmem:s9], [sflag:$0x7] =	stream.linear.gather [hbm4b:s15+s3], $0x80, $0x38;
	[tilespmem:$0x1EA40] =	vst v63  }
0x53: {  	s16 =	rddreg [dreg:$0xb]  }
0x54: {  	[tilespmem:s24], [sflag:$0x8] =	stream.linear.gather [hbm4b:s16+s3], $0x80, $0x38;
	[tilespmem:$0x1EA40] =	vst v63  }
0x55: {  	_ = 	snop  }
0x56: {  	[tilespmem:s19], [sflag:$0x1] =	stream.indirect.gather [hbm4b:s5+s25], $0x80, s3, s25, $0xb8;
	[tilespmem:$0x1EA40] =	vst v63  }
0x57: {  	s8 =	simm.s32 $0x70;
	s9 =	simm.s32 $0x280  }
0x58: {  	[tilespmem:s26], [sflag:$0x2] =	stream.indirect.gather [hbm4b:s5+s25], $0x80, s25, s25, $0xb8;
	[tilespmem:$0x1EA40] =	vst v63  }
.LBB2_4:
0x59: {  	_ =	swait.ge [sflag:s28], $0x4000  }
0x5a: {  	[sflag:s28] =	ssyncset.done $0x0  }
0x5b: {  	[sflag:s28] =	ssyncadd.s32 $0xFFFFC000  }
0x5c: {  	_ =	swait.ge [sflag:s29], $0x80  }
0x5d: {  	[sflag:s29] =	ssyncset.done $0x0  }
0x5e: {  	[sflag:s29] =	ssyncadd.s32 $0xFFFFFF80  }
0x5f: {  	[spmem:s2] =	stream.indirect.scatter.add.f32 [tilespmem:s19], [sflag:$0x3], $0x80, s21, s25, $0xb8;
	[tilespmem:$0x1EA40] =	vst v63  }
0x60: {  	_ =	swait.ge [sflag:s30], $0x4000  }
0x61: {  	[sflag:s30] =	ssyncset.done $0x0  }
0x62: {  	s10 =	sadd.s32 $0xFFFFFE80, s9;
	p0 =	seq.s32 s8, $0x530;
	[sflag:s30] =	ssyncadd.s32 $0xFFFFC000  }
0x63: {  	[tilespmem:s19], [sflag:$0x1] =	stream.indirect.gather [hbm4b:s5+s25], $0x80, s10, s25, $0xb8;
	[tilespmem:$0x1EA40] =	vst v63  }
0x64: {  	s10 =	sadd.s32 @!p0 $0xFFFFFFD0, s8  }
0x65: {  	s12 =	sadd.s32 @!p0 s18, s10;
	s10 =	sand.u32 @!p0 $0x40, s10  }
0x66: {  	s12 =	sand.u32 @!p0 $0xFFFFF80, s12;
	s10 =	sadd.s32 @!p0 s4, s10  }
0x67: {  	s13 =	simm.s32 @!p0 $0x2800;
	s10 =	sadd.s32 @!p0 s12, s10;
	s12 =	simm.s32 @!p0 $0x0  }
0x68: {  	[tilespmem:s13], [sflag:$0x5] =	stream.linear.gather @!p0 [hbm4b:s10+s12], $0x80, $0x38;
	[tilespmem:$0x1EA40] =	vst v63  }
0x69: {  	_ =	swait.ge [sflag:s31], $0x4000  }
0x6a: {  	[sflag:s31] =	ssyncset.done $0x0  }
0x6b: {  	[sflag:s31] =	ssyncadd.s32 $0xFFFFC000  }
0x6c: {  	_ =	swait.ge [sflag:s0], $0x80  }
0x6d: {  	[sflag:s0] =	ssyncset.done $0x0  }
0x6e: {  	[sflag:s0] =	ssyncadd.s32 $0xFFFFFF80  }
0x6f: {  	[spmem:s2] =	stream.indirect.scatter.add.f32 [tilespmem:s26], [sflag:$0x4], $0x80, s22, s25, $0xb8;
	[tilespmem:$0x1EA40] =	vst v63  }
0x70: {  	_ =	swait.ge [sflag:s1], $0x4000  }
0x71: {  	[sflag:s1] =	ssyncset.done $0x0  }
0x72: {  	s16 =	sadd.s32 $0xFFFFFF00, s9;
	s10 =	simm.s32 @p0 $0x1;
	[sflag:s1] =	ssyncadd.s32 $0xFFFFC000  }
0x73: {  	[tilespmem:s26], [sflag:$0x2] =	stream.indirect.gather [hbm4b:s5+s25], $0x80, s16, s25, $0xb8;
	[tilespmem:$0x1EA40] =	vst v63  }
0x74: {  	_ =	swait.ge @p0 [sflag:s10], $0x4000  }
0x75: {  	[sflag:s10] =	ssyncset.done @p0 $0x0  }
0x76: {  	[sflag:s10] =	ssyncadd.s32 @p0 $0xFFFFC000;
	s10 =	simm.s32 @p0 $0x7  }
0x77: {  	_ =	swait.ge @p0 [sflag:s10], $0x80  }
0x78: {  	s14 =	simm.s32 @p0 $0x2A00;
	[sflag:s10] =	ssyncset.done @p0 $0x0  }
0x79: {  	s13 =	simm.s32 @p0 $0x2900;
	[sflag:s10] =	ssyncadd.s32 @p0 $0xFFFFFF80;
	s10 =	simm.s32 @p0 $0x80  }
0x7a: {  	[spmem:s2] =	stream.indirect.scatter.add.f32 @p0 [tilespmem:s14], [sflag:$0x3], $0x80, s13, s10, $0xb8;
	[tilespmem:$0x1EA40] =	vst v63  }
0x7b: {  	s10 =	sadd.s32 @!p0 s8, s18;
	s13 =	sadd.s32 @!p0 $0xFFFFFFE0, s8  }
0x7c: {  	s14 =	sadd.s32 @!p0 $0xFFFFFFE0, s10;
	s13 =	sand.u32 @!p0 $0x50, s13  }
0x7d: {  	s14 =	sand.u32 @!p0 $0xFFFFF80, s14;
	s13 =	sadd.s32 @!p0 s4, s13  }
0x7e: {  	s13 =	sadd.s32 @!p0 s14, s13;
	s14 =	simm.s32 @!p0 $0x2880  }
0x7f: {  	[tilespmem:s14], [sflag:$0x6] =	stream.linear.gather @!p0 [hbm4b:s13+s12], $0x80, $0x38;
	[tilespmem:$0x1EA40] =	vst v63  }
0x80: {  	s13 =	simm.s32 @!p0 $0x1  }
0x81: {  	_ =	swait.ge @!p0 [sflag:s13], $0x4000  }
0x82: {  	[sflag:s13] =	ssyncset.done @!p0 $0x0  }
0x83: {  	[sflag:s13] =	ssyncadd.s32 @!p0 $0xFFFFC000;
	s13 =	simm.s32 @!p0 $0x7  }
0x84: {  	_ =	swait.ge @!p0 [sflag:s13], $0x80  }
0x85: {  	s15 =	simm.s32 @!p0 $0x2A00;
	s16 =	simm.s32 @!p0 $0x3;
	[sflag:s13] =	ssyncset.done @!p0 $0x0  }
0x86: {  	s14 =	simm.s32 @!p0 $0x2900;
	[sflag:s13] =	ssyncadd.s32 @!p0 $0xFFFFFF80;
	s13 =	simm.s32 @!p0 $0x80  }
0x87: {  	[spmem:s2] =	stream.indirect.scatter.add.f32 @!p0 [tilespmem:s15], [sflag:$0x3], $0x80, s14, s13, $0xb8;
	[tilespmem:$0x1EA40] =	vst v63  }
0x88: {  	_ =	swait.ge @!p0 [sflag:s16], $0x4000  }
0x89: {  	[sflag:s16] =	ssyncset.done @!p0 $0x0  }
0x8a: {  	[sflag:s16] =	ssyncadd.s32 @!p0 $0xFFFFC000;
	s16 =	sadd.s32 @!p0 $0xFFFFFF80, s9  }
0x8b: {  	[tilespmem:s15], [sflag:$0x1] =	stream.indirect.gather @!p0 [hbm4b:s5+s13], $0x80, s16, s13, $0xb8;
	[tilespmem:$0x1EA40] =	vst v63  }
0x8c: {  	s13 =	sadd.s32 @!p0 $0xFFFFFFF0, s8  }
0x8d: {  	s10 =	sadd.s32 @!p0 $0xFFFFFFF0, s10;
	s13 =	sand.u32 @!p0 $0x60, s13  }
0x8e: {  	s10 =	sand.u32 @!p0 $0xFFFFF80, s10;
	s13 =	sadd.s32 @!p0 s4, s13  }
0x8f: {  	s10 =	sadd.s32 @!p0 s10, s13  }
0x90: {  	[tilespmem:s14], [sflag:$0x7] =	stream.linear.gather @!p0 [hbm4b:s10+s12], $0x80, $0x38;
	[tilespmem:$0x1EA40] =	vst v63  }
0x91: {  	_ =	swait.ge [sflag:s31], $0x4000  }
0x92: {  	[sflag:s31] =	ssyncset.done $0x0  }
.Ltmp3:
0x93: {  	[sflag:s31] =	ssyncadd.s32 $0xFFFFC000;
	(pc) =	sbr.rel @p0 .LBB2_6-.Ltmp3, $4  }
0x94: {  	_ =	swait.ge [sflag:s23], $0x80  }
0x95: {  	[sflag:s23] =	ssyncset.done $0x0  }
0x96: {  	[sflag:s23] =	ssyncadd.s32 $0xFFFFFF80  }
0x97: {  	[spmem:s2] =	stream.indirect.scatter.add.f32 [tilespmem:s26], [sflag:$0x4], $0x80, s24, s25, $0xb8;
	[tilespmem:$0x1EA40] =	vst v63  }
0x98: {  	_ =	swait.ge [sflag:s1], $0x4000;
	s10 =	sadd.s32 s8, s18  }
.Ltmp4:
0x99: {  	s12 =	sand.u32 $0x70, s8;
	[sflag:s1] =	ssyncset.done $0x0;
	(pc) =	sbr.rel .LBB2_4-.Ltmp4, $4  }
0x9a: {  	s10 =	sand.u32 $0xFFFFF80, s10;
	s12 =	sadd.s32 s4, s12;
	[sflag:s1] =	ssyncadd.s32 $0xFFFFC000  }
0x9b: {  	[tilespmem:s26], [sflag:$0x2] =	stream.indirect.gather [hbm4b:s5+s25], $0x80, s9, s25, $0xb8;
	[tilespmem:$0x1EA40] =	vst v63  }
0x9c: {  	s8 =	sadd.s32 $0x40, s8;
	s10 =	sadd.s32 s10, s12;
	s9 =	sadd.s32 $0x200, s9  }
0x9d: {  	[tilespmem:s24], [sflag:$0x8] =	stream.linear.gather [hbm4b:s10+s3], $0x80, $0x38;
	[tilespmem:$0x1EA40] =	vst v63  }
.LBB2_7:
0x9e: {  	_ =	sfence.sel $0x180000  }
0x9f: {  	[bflag:$0x0] =	sbarrier.arrive $0xFFFF  }
0xa0: {  	_ =	strace $0x9000004A  }
0xa1: {  	s0 =	stileid.u32;
	[bflag:$0x2] =	sbarrier.arrive $0xFFFF  }
0xa2: {  	p0 =	sne.s32 s0, $0x0;
	s0 =	rddreg [dreg:$0x3]  }
0xa3: {  	s0 =	sadd.s32 @!p0 $0x100000, s0  }
0xa4: {  	[sflag:s0] =	ssyncadd.tile.s32 @!p0 $0x1;
	_ =	shalt  }
.Lfunc_end2:
_tile_overlayer_lowered:
.L_overlay_start_2:
0xa5: {  	(tag) =	ssettag $0x2  }
0xa6: {  	s0 =	rddreg [dreg:$0x0];
	s2 =	stileid.u32  }
0xa7: {  	s1 =	rddreg [dreg:$0x1];
	p0 =	sne.s32 s2, $0x0  }
0xa8: {  	s3 =	rddreg [dreg:$0x2];
	[bflag:$0x3] =	sbarrier.arrive $0xFFFF;
	s2 =	simm.s32 @!p0 $0x1C09  }
0xa9: {  	[timem:s3], [sflag:s2] =	dma.local @!p0 [hbm:s0], s1  }
0xaa: {  	s0 =	simm.s32 @!p0 $0x9  }
0xab: {  	_ =	swait.ge @!p0 [sflag:s0], s1  }
0xac: {  	s1 =	ssub.s32 @!p0 $0x0, s1;
	[sflag:s0] =	ssyncset.done @!p0 $0x0  }
0xad: {  	[sflag:s0] =	ssyncadd.s32 @!p0 s1  }
0xae: {  	[bflag:$0x3] =	sbarrier.arrive $0xFFFF  }
0xaf: {  	_ =	shalt  }

</sc_bundles>
